<compile_context>
chip_gen: v7x
topology: tpu7x:2x2x1
jax: 0.10.2.dev20260603
libtpu: 0.0.44.dev20260713+nightly
codegen_flags: <defaults>
</compile_context>

<pallas_src>
import jax
import jax.numpy as jnp
from jax import lax
from jax.experimental import pallas as pl
from jax.experimental.pallas import tpu as pltpu
from jax.experimental.pallas import tpu_sc as plsc

N = 50000
B = 256
D = 256
L = 16
KS = D // L
NC = 2
NS = 16
NW = NC * NS
RB = 56
NBLK = N // RB
NFULL = NBLK * RB
TAIL = N - NFULL
BPW = (NBLK + NW - 1) // NW


def _sc_body(x_ref, bidx_ref, wg_ref, qp_ref, dp_ref,
             xbuf, idxbuf, wgbuf, accq, accd, semx, semi):
    cid = lax.axis_index("c")
    sid = lax.axis_index("s")
    wid = sid * NC + cid

    pltpu.sync_copy(wg_ref, wgbuf)

    zv = jnp.zeros((L,), jnp.float32)

    def _zero(r):
        for k in range(KS):
            accq[r, pl.ds(L * k, L)] = zv
        accd[r, :] = zv
    plsc.parallel_loop(0, B, unroll=8)(_zero)

    def _x_copy(blk, s):
        return pltpu.make_async_copy(
            x_ref.at[pl.ds(blk * RB, RB)], xbuf.at[s], semx.at[s])

    def _i_copy(blk, s):
        return pltpu.make_async_copy(
            bidx_ref.at[pl.ds(blk * RB, RB)], idxbuf.at[s, pl.ds(0, RB)],
            semi.at[s])

    _x_copy(wid, 0).start()
    _i_copy(wid, 0).start()

    def _proc(i, c):
        blk = wid + NW * i
        s = lax.rem(i, 2)
        _x_copy(blk, s).wait()
        _i_copy(blk, s).wait()
        idxbuf[s, pl.ds(RB, L)] = jnp.full((L,), -1, jnp.int32)

        nblk = blk + NW

        @pl.when(nblk < NBLK)
        def _():
            ns = lax.rem(i + 1, 2)
            _x_copy(nblk, ns).start()
            _i_copy(nblk, ns).start()

        def _run(r0):
            b = idxbuf[s, pl.ds(r0, L)][0]

            def _bs(_, lh):
                lo, hi = lh
                mid = lax.div(lo + hi, 2)
                same = idxbuf[s, pl.ds(mid, L)][0] == b
                return jnp.where(same, mid, lo), jnp.where(same, hi, mid)
            _, rend = lax.fori_loop(0, 6, _bs, (r0, jnp.int32(RB)))

            def _rowF(r, frc):
                rdv, rv = frc
                xs = [xbuf[s, r, pl.ds(L * k, L)] for k in range(KS)]
                prods = [xs[k] * wgbuf[pl.ds(L * k, L)] for k in range(KS)]
                while len(prods) > 1:
                    prods = [prods[j] + prods[j + 1]
                             for j in range(0, len(prods) - 1, 2)] + (
                                 [prods[-1]] if len(prods) % 2 else [])
                ev = jnp.exp(zv + jnp.sum(prods[0]))
                return rdv + ev, tuple(rv[k] + ev * xs[k] for k in range(KS))

            rd, racc = plsc.parallel_loop(
                r0, rend, unroll=2,
                carry=(zv, tuple(zv for _ in range(KS))))(_rowF)
            for k in range(KS):
                sl = pl.ds(L * k, L)
                accq[b, sl] = accq[b, sl] + racc[k]
            accd[b, :] = accd[b, :] + rd
            return rend
        lax.while_loop(lambda r0: r0 < RB, _run, jnp.int32(0))
        return c

    def _block(i, c):
        blk = wid + NW * i
        return lax.cond(blk < NBLK, _proc, lambda i_, c_: c_, i, c)

    lax.fori_loop(0, BPW, _block, 0)

    pltpu.sync_copy(accq, qp_ref.at[wid])
    pltpu.sync_copy(accd, dp_ref.at[wid])


_sc_pool = pl.kernel(
    _sc_body,
    out_type=(
        jax.ShapeDtypeStruct((NW, B, D), jnp.float32),
        jax.ShapeDtypeStruct((NW, B, L), jnp.float32),
    ),
    mesh=plsc.VectorSubcoreMesh(
        core_axis_name="c", subcore_axis_name="s",
        num_cores=NC, num_subcores=NS),
    compiler_params=pltpu.CompilerParams(needs_layout_passes=False),
    scratch_types=[
        pltpu.VMEM((2, RB, D), jnp.float32),
        pltpu.VMEM((2, RB + L), jnp.int32),
        pltpu.VMEM((D,), jnp.float32),
        pltpu.VMEM((B, D), jnp.float32),
        pltpu.VMEM((B, L), jnp.float32),
        pltpu.SemaphoreType.DMA((2,)),
        pltpu.SemaphoreType.DMA((2,)),
    ],
)


def _tc_body(qp, dp, xt, bt, gp, wg, bg, wnn, bnn, wl1, wl2, bl, out):
    q = jnp.sum(qp[...], axis=0)
    dcol = jnp.sum(dp[...], axis=0)[:, 0:1]

    xtail = xt[...]
    gate_t = jnp.dot(xtail, wg[...], preferred_element_type=jnp.float32)
    et = jnp.exp(gate_t)
    iota = lax.broadcasted_iota(jnp.int32, (TAIL, B), 1)
    oh = (bt[...] == iota).astype(jnp.float32)
    q = q + lax.dot_general(oh, et * xtail, (((0,), (0,)), ((), ())),
                            preferred_element_type=jnp.float32)
    dcol = dcol + lax.dot_general(oh, et, (((0,), (0,)), ((), ())),
                                  preferred_element_type=jnp.float32)

    ebg = jnp.exp(bg[0, 0])
    t = dcol * ebg
    p = q * (ebg / (t + 1e-16))
    s = t / (t + 1e-16)

    g = jnp.dot(p, wnn[...], preferred_element_type=jnp.float32) + s * bnn[...]
    h = (jnp.dot(g, wl1[...], preferred_element_type=jnp.float32)
         + jnp.dot(gp[...], wl2[...], preferred_element_type=jnp.float32)
         + bl[...])
    out[...] = gp[...] + jnp.maximum(h, 0.0)


_tc_call = pl.pallas_call(
    _tc_body,
    out_shape=jax.ShapeDtypeStruct((B, D), jnp.float32),
)


def kernel(x, g_prev, batch_idx, W_gate, b_gate, W_nn, b_nn, W_lin, b_lin):
    bidx = batch_idx.astype(jnp.int32)
    qp, dp = _sc_pool(x, bidx, W_gate.reshape(D))
    xtail = x[NFULL:]
    bt = jnp.broadcast_to(bidx[NFULL:, None], (TAIL, B))
    return _tc_call(qp, dp, xtail, bt, g_prev,
                    W_gate, b_gate.reshape(1, 1), W_nn,
                    b_nn.reshape(1, D), W_lin[:D], W_lin[D:],
                    b_lin.reshape(1, D))

# --- scband reference (transcript-rebuilt; emitter-appended) ---
"""Pipeline reference for scband-global-node-3418793967965 (READ-ONLY COPY).

The authoritative reference and input builder live on the scoring server;
editing this copy changes nothing except your own understanding.
"""

import jax, jax.numpy as jnp
import numpy as np

N = 50000
B = 256
D = 256

def setup_inputs(seed: int = 0) -> dict:
    key = jax.random.key(seed)
    ks = jax.random.split(key, 9)
    x = jax.random.normal(ks[0], (N, D), dtype=jnp.float32)
    g_prev = jax.random.normal(ks[1], (B, D), dtype=jnp.float32)
    batch_idx = jnp.sort(jax.random.randint(ks[2], (N,), 0, B, dtype=jnp.int64))
    W_gate = jax.random.normal(ks[3], (D, 1), dtype=jnp.float32) / np.sqrt(D)
    b_gate = jnp.zeros((1,), dtype=jnp.float32)
    W_nn = jax.random.normal(ks[4], (D, D), dtype=jnp.float32) / np.sqrt(D)
    b_nn = jnp.zeros((D,), dtype=jnp.float32)
    W_lin = jax.random.normal(ks[5], (2 * D, D), dtype=jnp.float32) / np.sqrt(2 * D)
    b_lin = jnp.zeros((D,), dtype=jnp.float32)
    return {"x": x, "g_prev": g_prev, "batch_idx": batch_idx,
            "W_gate": W_gate, "b_gate": b_gate,
            "W_nn": W_nn, "b_nn": b_nn,
            "W_lin": W_lin, "b_lin": b_lin}

def reference(x, g_prev, batch_idx, W_gate, b_gate, W_nn, b_nn, W_lin, b_lin):
    # AttentionalAggregation: gate_nn and nn are plain Linear layers
    gate = x @ W_gate + b_gate            # [N, 1]
    xt = x @ W_nn + b_nn                  # [N, D]
    # segment softmax over batch_idx (max detached, matching torch_geometric softmax)
    seg_max = jax.ops.segment_max(gate, batch_idx, num_segments=B)
    seg_max = jnp.where(jnp.isfinite(seg_max), seg_max, 0.0)
    seg_max = jax.lax.stop_gradient(seg_max)
    e = jnp.exp(gate - seg_max[batch_idx])
    denom = jax.ops.segment_sum(e, batch_idx, num_segments=B)
    alpha = e / (denom[batch_idx] + 1e-16)
    g = jax.ops.segment_sum(alpha * xt, batch_idx, num_segments=B)  # [B, D]
    # MLPLayer with ReLU activation
    h = jnp.concatenate([g, g_prev], axis=-1) @ W_lin + b_lin       # [B, D]
    return g_prev + jax.nn.relu(h)

if __name__ == "__main__":
    import jax
    _d = setup_inputs()
    print(jax.jit(kernel)(*tuple(_d.values())))

</pallas_src>

<mosaic_0001>
#map = affine_map<(d0, d1) -> (0, 0)>
#map1 = affine_map<(d0, d1) -> (0)>
#map2 = affine_map<(d0, d1) -> (0, 0, 0)>
module attributes {stable_mosaic.version = 14 : i64} {
  func.func @_sc_body(%arg0: i32, %arg1: i32, %arg2: memref<50000x256xf32, #tpu.memory_space<hbm>>, %arg3: memref<50000xi32, #tpu.memory_space<hbm>>, %arg4: memref<256xf32, #tpu.memory_space<hbm>>, %arg5: memref<32x256x256xf32, #tpu.memory_space<hbm>>, %arg6: memref<32x256x16xf32, #tpu.memory_space<hbm>>, %arg7: memref<2x56x256xf32, #tpu.memory_space<vmem>>, %arg8: memref<2x72xi32, #tpu.memory_space<vmem>>, %arg9: memref<256xf32, #tpu.memory_space<vmem>>, %arg10: memref<256x256xf32, #tpu.memory_space<vmem>>, %arg11: memref<256x16xf32, #tpu.memory_space<vmem>>, %arg12: memref<2x!tpu.dma_semaphore, #tpu.memory_space<semaphore_mem>>, %arg13: memref<2x!tpu.dma_semaphore, #tpu.memory_space<semaphore_mem>>) attributes {dimension_semantics = [#tpu.dimension_semantics<core_parallel>, #tpu.dimension_semantics<subcore_parallel>], iteration_bounds = array<i64: 2, 16>, scalar_prefetch = 0 : i64, scratch_operands = 7 : i64, tpu.core_type = #tpu.core_type<sc_vector_subcore>, window_params = [{transform_indices = #map}, {transform_indices = #map1}, {transform_indices = #map1}, {transform_indices = #map2}, {transform_indices = #map2}]} {
    %mul3A = arith.constant 2 : i32
    %mul3A_0 = arith.muli %arg1, %mul3A : i32
    %add3A = arith.addi %mul3A_0, %arg0 : i32
    "tpu.region"() ({
      %run_scoped3A = tpu.sem_alloc : memref<!tpu.dma_semaphore, #tpu.memory_space<semaphore_mem>>
      tpu.enqueue_dma source(%arg4 : memref<256xf32, #tpu.memory_space<hbm>>) target(%arg9 : memref<256xf32, #tpu.memory_space<vmem>>) target_semaphore(%run_scoped3A : memref<!tpu.dma_semaphore, #tpu.memory_space<semaphore_mem>>)
      tpu.wait_dma2 semaphore(%run_scoped3A : memref<!tpu.dma_semaphore, #tpu.memory_space<semaphore_mem>>) src(%arg4 : memref<256xf32, #tpu.memory_space<hbm>>) dst(%arg9 : memref<256xf32, #tpu.memory_space<vmem>>)
      tpu.yield
    }) : () -> ()
    %broadcast_in_dim3A = arith.constant 0.000000e+00 : f32
    %broadcast_in_dim3A_1 = vector.broadcast %broadcast_in_dim3A : f32 to vector<16xf32>
    %parallel_loop3A = arith.constant 0 : i32
    %parallel_loop3A_2 = arith.constant 256 : i32
    %parallel_loop3A_3 = arith.constant 1 : i32
    scf.for %parallel_loop3A_40 = %parallel_loop3A to %parallel_loop3A_2 step %parallel_loop3A_3  : i32 {
      %parallel_loop3A_41 = arith.index_cast %parallel_loop3A_40 : i32 to index
      %parallel_loop3A_42 = arith.constant 0 : index
      %parallel_loop3A_43 = tpu.vector_load %arg10[%parallel_loop3A_41, %parallel_loop3A_42] {strides = array<i32>} : memref<256x256xf32, #tpu.memory_space<vmem>>, vector<16xf32>,
      tpu.vector_store %arg10[%parallel_loop3A_41, %parallel_loop3A_42], %broadcast_in_dim3A_1 {strides = array<i32>} : memref<256x256xf32, #tpu.memory_space<vmem>>, vector<16xf32>,
      %parallel_loop3A_44 = arith.index_cast %parallel_loop3A_40 : i32 to index
      %parallel_loop3A_45 = arith.constant 16 : index
      %parallel_loop3A_46 = tpu.vector_load %arg10[%parallel_loop3A_44, %parallel_loop3A_45] {strides = array<i32>} : memref<256x256xf32, #tpu.memory_space<vmem>>, vector<16xf32>,
      tpu.vector_store %arg10[%parallel_loop3A_44, %parallel_loop3A_45], %broadcast_in_dim3A_1 {strides = array<i32>} : memref<256x256xf32, #tpu.memory_space<vmem>>, vector<16xf32>,
      %parallel_loop3A_47 = arith.index_cast %parallel_loop3A_40 : i32 to index
      %parallel_loop3A_48 = arith.constant 32 : index
      %parallel_loop3A_49 = tpu.vector_load %arg10[%parallel_loop3A_47, %parallel_loop3A_48] {strides = array<i32>} : memref<256x256xf32, #tpu.memory_space<vmem>>, vector<16xf32>,
      tpu.vector_store %arg10[%parallel_loop3A_47, %parallel_loop3A_48], %broadcast_in_dim3A_1 {strides = array<i32>} : memref<256x256xf32, #tpu.memory_space<vmem>>, vector<16xf32>,
      %parallel_loop3A_50 = arith.index_cast %parallel_loop3A_40 : i32 to index
      %parallel_loop3A_51 = arith.constant 48 : index
      %parallel_loop3A_52 = tpu.vector_load %arg10[%parallel_loop3A_50, %parallel_loop3A_51] {strides = array<i32>} : memref<256x256xf32, #tpu.memory_space<vmem>>, vector<16xf32>,
      tpu.vector_store %arg10[%parallel_loop3A_50, %parallel_loop3A_51], %broadcast_in_dim3A_1 {strides = array<i32>} : memref<256x256xf32, #tpu.memory_space<vmem>>, vector<16xf32>,
      %parallel_loop3A_53 = arith.index_cast %parallel_loop3A_40 : i32 to index
      %parallel_loop3A_54 = arith.constant 64 : index
      %parallel_loop3A_55 = tpu.vector_load %arg10[%parallel_loop3A_53, %parallel_loop3A_54] {strides = array<i32>} : memref<256x256xf32, #tpu.memory_space<vmem>>, vector<16xf32>,
      tpu.vector_store %arg10[%parallel_loop3A_53, %parallel_loop3A_54], %broadcast_in_dim3A_1 {strides = array<i32>} : memref<256x256xf32, #tpu.memory_space<vmem>>, vector<16xf32>,
      %parallel_loop3A_56 = arith.index_cast %parallel_loop3A_40 : i32 to index
      %parallel_loop3A_57 = arith.constant 80 : index
      %parallel_loop3A_58 = tpu.vector_load %arg10[%parallel_loop3A_56, %parallel_loop3A_57] {strides = array<i32>} : memref<256x256xf32, #tpu.memory_space<vmem>>, vector<16xf32>,
      tpu.vector_store %arg10[%parallel_loop3A_56, %parallel_loop3A_57], %broadcast_in_dim3A_1 {strides = array<i32>} : memref<256x256xf32, #tpu.memory_space<vmem>>, vector<16xf32>,
      %parallel_loop3A_59 = arith.index_cast %parallel_loop3A_40 : i32 to index
      %parallel_loop3A_60 = arith.constant 96 : index
      %parallel_loop3A_61 = tpu.vector_load %arg10[%parallel_loop3A_59, %parallel_loop3A_60] {strides = array<i32>} : memref<256x256xf32, #tpu.memory_space<vmem>>, vector<16xf32>,
      tpu.vector_store %arg10[%parallel_loop3A_59, %parallel_loop3A_60], %broadcast_in_dim3A_1 {strides = array<i32>} : memref<256x256xf32, #tpu.memory_space<vmem>>, vector<16xf32>,
      %parallel_loop3A_62 = arith.index_cast %parallel_loop3A_40 : i32 to index
      %parallel_loop3A_63 = arith.constant 112 : index
      %parallel_loop3A_64 = tpu.vector_load %arg10[%parallel_loop3A_62, %parallel_loop3A_63] {strides = array<i32>} : memref<256x256xf32, #tpu.memory_space<vmem>>, vector<16xf32>,
      tpu.vector_store %arg10[%parallel_loop3A_62, %parallel_loop3A_63], %broadcast_in_dim3A_1 {strides = array<i32>} : memref<256x256xf32, #tpu.memory_space<vmem>>, vector<16xf32>,
      %parallel_loop3A_65 = arith.index_cast %parallel_loop3A_40 : i32 to index
      %parallel_loop3A_66 = arith.constant 128 : index
      %parallel_loop3A_67 = tpu.vector_load %arg10[%parallel_loop3A_65, %parallel_loop3A_66] {strides = array<i32>} : memref<256x256xf32, #tpu.memory_space<vmem>>, vector<16xf32>,
      tpu.vector_store %arg10[%parallel_loop3A_65, %parallel_loop3A_66], %broadcast_in_dim3A_1 {strides = array<i32>} : memref<256x256xf32, #tpu.memory_space<vmem>>, vector<16xf32>,
      %parallel_loop3A_68 = arith.index_cast %parallel_loop3A_40 : i32 to index
      %parallel_loop3A_69 = arith.constant 144 : index
      %parallel_loop3A_70 = tpu.vector_load %arg10[%parallel_loop3A_68, %parallel_loop3A_69] {strides = array<i32>} : memref<256x256xf32, #tpu.memory_space<vmem>>, vector<16xf32>,
      tpu.vector_store %arg10[%parallel_loop3A_68, %parallel_loop3A_69], %broadcast_in_dim3A_1 {strides = array<i32>} : memref<256x256xf32, #tpu.memory_space<vmem>>, vector<16xf32>,
      %parallel_loop3A_71 = arith.index_cast %parallel_loop3A_40 : i32 to index
      %parallel_loop3A_72 = arith.constant 160 : index
      %parallel_loop3A_73 = tpu.vector_load %arg10[%parallel_loop3A_71, %parallel_loop3A_72] {strides = array<i32>} : memref<256x256xf32, #tpu.memory_space<vmem>>, vector<16xf32>,
      tpu.vector_store %arg10[%parallel_loop3A_71, %parallel_loop3A_72], %broadcast_in_dim3A_1 {strides = array<i32>} : memref<256x256xf32, #tpu.memory_space<vmem>>, vector<16xf32>,
      %parallel_loop3A_74 = arith.index_cast %parallel_loop3A_40 : i32 to index
      %parallel_loop3A_75 = arith.constant 176 : index
      %parallel_loop3A_76 = tpu.vector_load %arg10[%parallel_loop3A_74, %parallel_loop3A_75] {strides = array<i32>} : memref<256x256xf32, #tpu.memory_space<vmem>>, vector<16xf32>,
      tpu.vector_store %arg10[%parallel_loop3A_74, %parallel_loop3A_75], %broadcast_in_dim3A_1 {strides = array<i32>} : memref<256x256xf32, #tpu.memory_space<vmem>>, vector<16xf32>,
      %parallel_loop3A_77 = arith.index_cast %parallel_loop3A_40 : i32 to index
      %parallel_loop3A_78 = arith.constant 192 : index
      %parallel_loop3A_79 = tpu.vector_load %arg10[%parallel_loop3A_77, %parallel_loop3A_78] {strides = array<i32>} : memref<256x256xf32, #tpu.memory_space<vmem>>, vector<16xf32>,
      tpu.vector_store %arg10[%parallel_loop3A_77, %parallel_loop3A_78], %broadcast_in_dim3A_1 {strides = array<i32>} : memref<256x256xf32, #tpu.memory_space<vmem>>, vector<16xf32>,
      %parallel_loop3A_80 = arith.index_cast %parallel_loop3A_40 : i32 to index
      %parallel_loop3A_81 = arith.constant 208 : index
      %parallel_loop3A_82 = tpu.vector_load %arg10[%parallel_loop3A_80, %parallel_loop3A_81] {strides = array<i32>} : memref<256x256xf32, #tpu.memory_space<vmem>>, vector<16xf32>,
      tpu.vector_store %arg10[%parallel_loop3A_80, %parallel_loop3A_81], %broadcast_in_dim3A_1 {strides = array<i32>} : memref<256x256xf32, #tpu.memory_space<vmem>>, vector<16xf32>,
      %parallel_loop3A_83 = arith.index_cast %parallel_loop3A_40 : i32 to index
      %parallel_loop3A_84 = arith.constant 224 : index
      %parallel_loop3A_85 = tpu.vector_load %arg10[%parallel_loop3A_83, %parallel_loop3A_84] {strides = array<i32>} : memref<256x256xf32, #tpu.memory_space<vmem>>, vector<16xf32>,
      tpu.vector_store %arg10[%parallel_loop3A_83, %parallel_loop3A_84], %broadcast_in_dim3A_1 {strides = array<i32>} : memref<256x256xf32, #tpu.memory_space<vmem>>, vector<16xf32>,
      %parallel_loop3A_86 = arith.index_cast %parallel_loop3A_40 : i32 to index
      %parallel_loop3A_87 = arith.constant 240 : index
      %parallel_loop3A_88 = tpu.vector_load %arg10[%parallel_loop3A_86, %parallel_loop3A_87] {strides = array<i32>} : memref<256x256xf32, #tpu.memory_space<vmem>>, vector<16xf32>,
      tpu.vector_store %arg10[%parallel_loop3A_86, %parallel_loop3A_87], %broadcast_in_dim3A_1 {strides = array<i32>} : memref<256x256xf32, #tpu.memory_space<vmem>>, vector<16xf32>,
      %parallel_loop3A_89 = arith.index_cast %parallel_loop3A_40 : i32 to index
      %parallel_loop3A_90 = arith.constant 0 : index
      %parallel_loop3A_91 = tpu.vector_load %arg11[%parallel_loop3A_89, %parallel_loop3A_90] {strides = array<i32>} : memref<256x16xf32, #tpu.memory_space<vmem>>, vector<16xf32>,
      tpu.vector_store %arg11[%parallel_loop3A_89, %parallel_loop3A_90], %broadcast_in_dim3A_1 {strides = array<i32>} : memref<256x16xf32, #tpu.memory_space<vmem>>, vector<16xf32>,
    } {sc.loop_unroll_factor = 8 : i64, sc.parallel_access}
    %mul3A_4 = arith.constant 56 : i32
    %mul3A_5 = arith.muli %add3A, %mul3A_4 : i32
    %dma_start3A = arith.constant 0 : i32
    %dma_start3A_6 = arith.constant 0 : i32
    %dma_start3A_7 = arith.constant 0 : i32
    %dma_start3A_8 = arith.constant 0 : i32
    %dma_start3A_9 = tpu.memref_slice %arg7[%dma_start3A, %dma_start3A_7, %dma_start3A_8] : memref<2x56x256xf32, #tpu.memory_space<vmem>> -> memref<1x56x256xf32, #tpu.memory_space<vmem>>
    %dma_start3A_10 = tpu.memref_squeeze %dma_start3A_9 : memref<1x56x256xf32, #tpu.memory_space<vmem>> -> memref<56x256xf32, #tpu.memory_space<vmem>>
    %dma_start3A_11 = arith.constant 0 : i32
    %dma_start3A_12 = tpu.memref_slice %arg2[%mul3A_5, %dma_start3A_11] : memref<50000x256xf32, #tpu.memory_space<hbm>> -> memref<56x256xf32, #tpu.memory_space<hbm>>
    %dma_start3A_13 = tpu.memref_slice %arg12[%dma_start3A_6] : memref<2x!tpu.dma_semaphore, #tpu.memory_space<semaphore_mem>> -> memref<1x!tpu.dma_semaphore, #tpu.memory_space<semaphore_mem>>
    %dma_start3A_14 = tpu.memref_squeeze %dma_start3A_13 : memref<1x!tpu.dma_semaphore, #tpu.memory_space<semaphore_mem>> -> memref<!tpu.dma_semaphore, #tpu.memory_space<semaphore_mem>>
    %dma_start3A_15 = arith.constant 0 : i32
    %dma_start3A_16 = arith.constant 0 : i32
    %dma_start3A_17 = tpu.memref_slice %arg7[%dma_start3A, %dma_start3A_15, %dma_start3A_16] : memref<2x56x256xf32, #tpu.memory_space<vmem>> -> memref<1x56x256xf32, #tpu.memory_space<vmem>>
    %dma_start3A_18 = tpu.memref_squeeze %dma_start3A_17 : memref<1x56x256xf32, #tpu.memory_space<vmem>> -> memref<56x256xf32, #tpu.memory_space<vmem>>
    %dma_start3A_19 = arith.constant 0 : i32
    %dma_start3A_20 = tpu.memref_slice %arg2[%mul3A_5, %dma_start3A_19] : memref<50000x256xf32, #tpu.memory_space<hbm>> -> memref<56x256xf32, #tpu.memory_space<hbm>>
    tpu.enqueue_dma source(%dma_start3A_20 : memref<56x256xf32, #tpu.memory_space<hbm>>) target(%dma_start3A_18 : memref<56x256xf32, #tpu.memory_space<vmem>>) target_semaphore(%dma_start3A_14 : memref<!tpu.dma_semaphore, #tpu.memory_space<semaphore_mem>>)
    %mul3A_21 = arith.constant 56 : i32
    %mul3A_22 = arith.muli %add3A, %mul3A_21 : i32
    %dma_start3A_23 = arith.constant 0 : i32
    %dma_start3A_24 = arith.constant 0 : i32
    %dma_start3A_25 = arith.constant 0 : i32
    %dma_start3A_26 = tpu.memref_slice %arg8[%dma_start3A_23, %dma_start3A_25] : memref<2x72xi32, #tpu.memory_space<vmem>> -> memref<1x56xi32, #tpu.memory_space<vmem>>
    %dma_start3A_27 = tpu.memref_squeeze %dma_start3A_26 : memref<1x56xi32, #tpu.memory_space<vmem>> -> memref<56xi32, #tpu.memory_space<vmem>>
    %dma_start3A_28 = tpu.memref_slice %arg3[%mul3A_22] : memref<50000xi32, #tpu.memory_space<hbm>> -> memref<56xi32, #tpu.memory_space<hbm>>
    %dma_start3A_29 = tpu.memref_slice %arg13[%dma_start3A_24] : memref<2x!tpu.dma_semaphore, #tpu.memory_space<semaphore_mem>> -> memref<1x!tpu.dma_semaphore, #tpu.memory_space<semaphore_mem>>
    %dma_start3A_30 = tpu.memref_squeeze %dma_start3A_29 : memref<1x!tpu.dma_semaphore, #tpu.memory_space<semaphore_mem>> -> memref<!tpu.dma_semaphore, #tpu.memory_space<semaphore_mem>>
    %dma_start3A_31 = arith.constant 0 : i32
    %dma_start3A_32 = tpu.memref_slice %arg8[%dma_start3A_23, %dma_start3A_31] : memref<2x72xi32, #tpu.memory_space<vmem>> -> memref<1x56xi32, #tpu.memory_space<vmem>>
    %dma_start3A_33 = tpu.memref_squeeze %dma_start3A_32 : memref<1x56xi32, #tpu.memory_space<vmem>> -> memref<56xi32, #tpu.memory_space<vmem>>
    %dma_start3A_34 = tpu.memref_slice %arg3[%mul3A_22] : memref<50000xi32, #tpu.memory_space<hbm>> -> memref<56xi32, #tpu.memory_space<hbm>>
    tpu.enqueue_dma source(%dma_start3A_34 : memref<56xi32, #tpu.memory_space<hbm>>) target(%dma_start3A_33 : memref<56xi32, #tpu.memory_space<vmem>>) target_semaphore(%dma_start3A_30 : memref<!tpu.dma_semaphore, #tpu.memory_space<semaphore_mem>>)
    %scan3A = arith.constant 0 : i32
    %scan3A_35 = arith.constant 0 : i32
    %scan3A_36 = arith.constant 28 : i32
    %scan3A_37 = arith.addi %scan3A_35, %scan3A_36 : i32
    %scan3A_38 = arith.constant 1 : i32
    scf.for %scan3A_40 = %scan3A_35 to %scan3A_37 step %scan3A_38  : i32 {
      %mul3A_41 = arith.constant 32 : i32
      %mul3A_42 = arith.muli %mul3A_41, %scan3A_40 : i32
      %add3A_43 = arith.addi %add3A, %mul3A_42 : i32
      %lt3A = arith.constant 892 : i32
      %lt3A_44 = arith.cmpi slt, %add3A_43, %lt3A : i32
      %convert_element_type3A = arith.extui %lt3A_44 : i1 to i32
      %cond3A = arith.constant 0 : i32
      %cond3A_45 = arith.cmpi ne, %convert_element_type3A, %cond3A : i32
      scf.if %cond3A_45 {
        %mul3A_46 = arith.constant 32 : i32
        %mul3A_47 = arith.muli %mul3A_46, %scan3A_40 : i32
        %add3A_48 = arith.addi %add3A, %mul3A_47 : i32
        %rem3A = arith.constant 2 : i32
        %rem3A_49 = arith.remsi %scan3A_40, %rem3A : i32
        %mul3A_50 = arith.constant 56 : i32
        %mul3A_51 = arith.muli %add3A_48, %mul3A_50 : i32
        %dma_wait3A = arith.constant 0 : i32
        %dma_wait3A_52 = arith.constant 0 : i32
        %dma_wait3A_53 = tpu.memref_slice %arg7[%rem3A_49, %dma_wait3A, %dma_wait3A_52] : memref<2x56x256xf32, #tpu.memory_space<vmem>> -> memref<1x56x256xf32, #tpu.memory_space<vmem>>
        %dma_wait3A_54 = tpu.memref_squeeze %dma_wait3A_53 : memref<1x56x256xf32, #tpu.memory_space<vmem>> -> memref<56x256xf32, #tpu.memory_space<vmem>>
        %dma_wait3A_55 = arith.constant 0 : i32
        %dma_wait3A_56 = tpu.memref_slice %arg2[%mul3A_51, %dma_wait3A_55] : memref<50000x256xf32, #tpu.memory_space<hbm>> -> memref<56x256xf32, #tpu.memory_space<hbm>>
        %dma_wait3A_57 = tpu.memref_slice %arg12[%rem3A_49] : memref<2x!tpu.dma_semaphore, #tpu.memory_space<semaphore_mem>> -> memref<1x!tpu.dma_semaphore, #tpu.memory_space<semaphore_mem>>
        %dma_wait3A_58 = tpu.memref_squeeze %dma_wait3A_57 : memref<1x!tpu.dma_semaphore, #tpu.memory_space<semaphore_mem>> -> memref<!tpu.dma_semaphore, #tpu.memory_space<semaphore_mem>>
        %dma_wait3A_59 = arith.constant 0 : i32
        %dma_wait3A_60 = arith.constant 0 : i32
        %dma_wait3A_61 = tpu.memref_slice %arg7[%rem3A_49, %dma_wait3A_59, %dma_wait3A_60] : memref<2x56x256xf32, #tpu.memory_space<vmem>> -> memref<1x56x256xf32, #tpu.memory_space<vmem>>
        %dma_wait3A_62 = tpu.memref_squeeze %dma_wait3A_61 : memref<1x56x256xf32, #tpu.memory_space<vmem>> -> memref<56x256xf32, #tpu.memory_space<vmem>>
        %dma_wait3A_63 = arith.constant 0 : i32
        %dma_wait3A_64 = tpu.memref_slice %arg2[%mul3A_51, %dma_wait3A_63] : memref<50000x256xf32, #tpu.memory_space<hbm>> -> memref<56x256xf32, #tpu.memory_space<hbm>>
        tpu.wait_dma2 semaphore(%dma_wait3A_58 : memref<!tpu.dma_semaphore, #tpu.memory_space<semaphore_mem>>) src(%dma_wait3A_64 : memref<56x256xf32, #tpu.memory_space<hbm>>) dst(%dma_wait3A_62 : memref<56x256xf32, #tpu.memory_space<vmem>>)
        %mul3A_65 = arith.constant 56 : i32
        %mul3A_66 = arith.muli %add3A_48, %mul3A_65 : i32
        %dma_wait3A_67 = arith.constant 0 : i32
        %dma_wait3A_68 = tpu.memref_slice %arg8[%rem3A_49, %dma_wait3A_67] : memref<2x72xi32, #tpu.memory_space<vmem>> -> memref<1x56xi32, #tpu.memory_space<vmem>>
        %dma_wait3A_69 = tpu.memref_squeeze %dma_wait3A_68 : memref<1x56xi32, #tpu.memory_space<vmem>> -> memref<56xi32, #tpu.memory_space<vmem>>
        %dma_wait3A_70 = tpu.memref_slice %arg3[%mul3A_66] : memref<50000xi32, #tpu.memory_space<hbm>> -> memref<56xi32, #tpu.memory_space<hbm>>
        %dma_wait3A_71 = tpu.memref_slice %arg13[%rem3A_49] : memref<2x!tpu.dma_semaphore, #tpu.memory_space<semaphore_mem>> -> memref<1x!tpu.dma_semaphore, #tpu.memory_space<semaphore_mem>>
        %dma_wait3A_72 = tpu.memref_squeeze %dma_wait3A_71 : memref<1x!tpu.dma_semaphore, #tpu.memory_space<semaphore_mem>> -> memref<!tpu.dma_semaphore, #tpu.memory_space<semaphore_mem>>
        %dma_wait3A_73 = arith.constant 0 : i32
        %dma_wait3A_74 = tpu.memref_slice %arg8[%rem3A_49, %dma_wait3A_73] : memref<2x72xi32, #tpu.memory_space<vmem>> -> memref<1x56xi32, #tpu.memory_space<vmem>>
        %dma_wait3A_75 = tpu.memref_squeeze %dma_wait3A_74 : memref<1x56xi32, #tpu.memory_space<vmem>> -> memref<56xi32, #tpu.memory_space<vmem>>
        %dma_wait3A_76 = tpu.memref_slice %arg3[%mul3A_66] : memref<50000xi32, #tpu.memory_space<hbm>> -> memref<56xi32, #tpu.memory_space<hbm>>
        tpu.wait_dma2 semaphore(%dma_wait3A_72 : memref<!tpu.dma_semaphore, #tpu.memory_space<semaphore_mem>>) src(%dma_wait3A_76 : memref<56xi32, #tpu.memory_space<hbm>>) dst(%dma_wait3A_75 : memref<56xi32, #tpu.memory_space<vmem>>)
        %broadcast_in_dim3A_77 = arith.constant -1 : i32
        %broadcast_in_dim3A_78 = vector.broadcast %broadcast_in_dim3A_77 : i32 to vector<16xi32>
        %swap3A = arith.index_cast %rem3A_49 : i32 to index
        %swap3A_79 = arith.constant 56 : index
        %swap3A_80 = tpu.vector_load %arg8[%swap3A, %swap3A_79] {strides = array<i32>} : memref<2x72xi32, #tpu.memory_space<vmem>>, vector<16xi32>,
        tpu.vector_store %arg8[%swap3A, %swap3A_79], %broadcast_in_dim3A_78 {strides = array<i32>} : memref<2x72xi32, #tpu.memory_space<vmem>>, vector<16xi32>,
        %add3A_81 = arith.constant 32 : i32
        %add3A_82 = arith.addi %add3A_48, %add3A_81 : i32
        %lt3A_83 = arith.constant 892 : i32
        %lt3A_84 = arith.cmpi slt, %add3A_82, %lt3A_83 : i32
        %convert_element_type3A_85 = arith.extui %lt3A_84 : i1 to i32
        %cond3A_86 = arith.constant 0 : i32
        %cond3A_87 = arith.cmpi ne, %convert_element_type3A_85, %cond3A_86 : i32
        scf.if %cond3A_87 {
          %add3A_89 = arith.constant 1 : i32
          %add3A_90 = arith.addi %scan3A_40, %add3A_89 : i32
          %rem3A_91 = arith.constant 2 : i32
          %rem3A_92 = arith.remsi %add3A_90, %rem3A_91 : i32
          %mul3A_93 = arith.constant 56 : i32
          %mul3A_94 = arith.muli %add3A_82, %mul3A_93 : i32
          %dma_start3A_95 = arith.constant 0 : i32
          %dma_start3A_96 = arith.constant 0 : i32
          %dma_start3A_97 = tpu.memref_slice %arg7[%rem3A_92, %dma_start3A_95, %dma_start3A_96] : memref<2x56x256xf32, #tpu.memory_space<vmem>> -> memref<1x56x256xf32, #tpu.memory_space<vmem>>
          %dma_start3A_98 = tpu.memref_squeeze %dma_start3A_97 : memref<1x56x256xf32, #tpu.memory_space<vmem>> -> memref<56x256xf32, #tpu.memory_space<vmem>>
          %dma_start3A_99 = arith.constant 0 : i32
          %dma_start3A_100 = tpu.memref_slice %arg2[%mul3A_94, %dma_start3A_99] : memref<50000x256xf32, #tpu.memory_space<hbm>> -> memref<56x256xf32, #tpu.memory_space<hbm>>
          %dma_start3A_101 = tpu.memref_slice %arg12[%rem3A_92] : memref<2x!tpu.dma_semaphore, #tpu.memory_space<semaphore_mem>> -> memref<1x!tpu.dma_semaphore, #tpu.memory_space<semaphore_mem>>
          %dma_start3A_102 = tpu.memref_squeeze %dma_start3A_101 : memref<1x!tpu.dma_semaphore, #tpu.memory_space<semaphore_mem>> -> memref<!tpu.dma_semaphore, #tpu.memory_space<semaphore_mem>>
          %dma_start3A_103 = arith.constant 0 : i32
          %dma_start3A_104 = arith.constant 0 : i32
          %dma_start3A_105 = tpu.memref_slice %arg7[%rem3A_92, %dma_start3A_103, %dma_start3A_104] : memref<2x56x256xf32, #tpu.memory_space<vmem>> -> memref<1x56x256xf32, #tpu.memory_space<vmem>>
          %dma_start3A_106 = tpu.memref_squeeze %dma_start3A_105 : memref<1x56x256xf32, #tpu.memory_space<vmem>> -> memref<56x256xf32, #tpu.memory_space<vmem>>
          %dma_start3A_107 = arith.constant 0 : i32
          %dma_start3A_108 = tpu.memref_slice %arg2[%mul3A_94, %dma_start3A_107] : memref<50000x256xf32, #tpu.memory_space<hbm>> -> memref<56x256xf32, #tpu.memory_space<hbm>>
          tpu.enqueue_dma source(%dma_start3A_108 : memref<56x256xf32, #tpu.memory_space<hbm>>) target(%dma_start3A_106 : memref<56x256xf32, #tpu.memory_space<vmem>>) target_semaphore(%dma_start3A_102 : memref<!tpu.dma_semaphore, #tpu.memory_space<semaphore_mem>>)
          %mul3A_109 = arith.constant 56 : i32
          %mul3A_110 = arith.muli %add3A_82, %mul3A_109 : i32
          %dma_start3A_111 = arith.constant 0 : i32
          %dma_start3A_112 = tpu.memref_slice %arg8[%rem3A_92, %dma_start3A_111] : memref<2x72xi32, #tpu.memory_space<vmem>> -> memref<1x56xi32, #tpu.memory_space<vmem>>
          %dma_start3A_113 = tpu.memref_squeeze %dma_start3A_112 : memref<1x56xi32, #tpu.memory_space<vmem>> -> memref<56xi32, #tpu.memory_space<vmem>>
          %dma_start3A_114 = tpu.memref_slice %arg3[%mul3A_110] : memref<50000xi32, #tpu.memory_space<hbm>> -> memref<56xi32, #tpu.memory_space<hbm>>
          %dma_start3A_115 = tpu.memref_slice %arg13[%rem3A_92] : memref<2x!tpu.dma_semaphore, #tpu.memory_space<semaphore_mem>> -> memref<1x!tpu.dma_semaphore, #tpu.memory_space<semaphore_mem>>
          %dma_start3A_116 = tpu.memref_squeeze %dma_start3A_115 : memref<1x!tpu.dma_semaphore, #tpu.memory_space<semaphore_mem>> -> memref<!tpu.dma_semaphore, #tpu.memory_space<semaphore_mem>>
          %dma_start3A_117 = arith.constant 0 : i32
          %dma_start3A_118 = tpu.memref_slice %arg8[%rem3A_92, %dma_start3A_117] : memref<2x72xi32, #tpu.memory_space<vmem>> -> memref<1x56xi32, #tpu.memory_space<vmem>>
          %dma_start3A_119 = tpu.memref_squeeze %dma_start3A_118 : memref<1x56xi32, #tpu.memory_space<vmem>> -> memref<56xi32, #tpu.memory_space<vmem>>
          %dma_start3A_120 = tpu.memref_slice %arg3[%mul3A_110] : memref<50000xi32, #tpu.memory_space<hbm>> -> memref<56xi32, #tpu.memory_space<hbm>>
          tpu.enqueue_dma source(%dma_start3A_120 : memref<56xi32, #tpu.memory_space<hbm>>) target(%dma_start3A_119 : memref<56xi32, #tpu.memory_space<vmem>>) target_semaphore(%dma_start3A_116 : memref<!tpu.dma_semaphore, #tpu.memory_space<semaphore_mem>>)
        } else {
        }
        %while3A = arith.constant 0 : i32
        %while3A_88 = scf.while (%while3A_89 = %while3A) : (i32) -> i32 {
          %lt3A_90 = arith.constant 56 : i32
          %lt3A_91 = arith.cmpi slt, %while3A_89, %lt3A_90 : i32
          scf.condition(%lt3A_91) %while3A_89 : i32
        } do {
        ^bb0(%while3A_89: i32):
          %get3A = arith.index_cast %rem3A_49 : i32 to index
          %get3A_90 = arith.index_cast %while3A_89 : i32 to index
          %get3A_91 = tpu.vector_load %arg8[%get3A, %get3A_90] {strides = array<i32>} : memref<2x72xi32, #tpu.memory_space<vmem>>, vector<16xi32>,
          %slice3A = vector.extract_strided_slice %get3A_91 {offsets = [0], sizes = [1], strides = [1]} : vector<16xi32> to vector<1xi32>
          %squeeze3A = vector.extract %slice3A[0] : i32 from vector<1xi32>
          %scan3A_92 = arith.constant 56 : i32
          %scan3A_93 = arith.constant 0 : i32
          %scan3A_94 = arith.constant 6 : i32
          %scan3A_95 = arith.addi %scan3A_93, %scan3A_94 : i32
          %scan3A_96 = arith.constant 1 : i32
          %scan3A_97:2 = scf.for %scan3A_220 = %scan3A_93 to %scan3A_95 step %scan3A_96 iter_args(%scan3A_221 = %while3A_89, %scan3A_222 = %scan3A_92) -> (i32, i32)  : i32 {
            %add3A_223 = arith.addi %scan3A_221, %scan3A_222 : i32
            %div3A = arith.constant 2 : i32
            %div3A_224 = arith.divsi %add3A_223, %div3A : i32
            %get3A_225 = arith.index_cast %rem3A_49 : i32 to index
            %get3A_226 = arith.index_cast %div3A_224 : i32 to index
            %get3A_227 = tpu.vector_load %arg8[%get3A_225, %get3A_226] {strides = array<i32>} : memref<2x72xi32, #tpu.memory_space<vmem>>, vector<16xi32>,
            %slice3A_228 = vector.extract_strided_slice %get3A_227 {offsets = [0], sizes = [1], strides = [1]} : vector<16xi32> to vector<1xi32>
            %squeeze3A_229 = vector.extract %slice3A_228[0] : i32 from vector<1xi32>
            %eq3A = arith.cmpi eq, %squeeze3A_229, %squeeze3A : i32
            %select_n3A = arith.select %eq3A, %div3A_224, %scan3A_221 : i32
            %select_n3A_230 = arith.select %eq3A, %scan3A_222, %div3A_224 : i32
            scf.yield %select_n3A, %select_n3A_230 : i32, i32
          }
          %scan3A_98 = arith.constant 6 : i32
          %parallel_loop3A_99 = arith.constant 1 : i32
          %parallel_loop3A_100:17 = scf.for %parallel_loop3A_220 = %while3A_89 to %scan3A_97#1 step %parallel_loop3A_99 iter_args(%parallel_loop3A_221 = %broadcast_in_dim3A_1, %parallel_loop3A_222 = %broadcast_in_dim3A_1, %parallel_loop3A_223 = %broadcast_in_dim3A_1, %parallel_loop3A_224 = %broadcast_in_dim3A_1, %parallel_loop3A_225 = %broadcast_in_dim3A_1, %parallel_loop3A_226 = %broadcast_in_dim3A_1, %parallel_loop3A_227 = %broadcast_in_dim3A_1, %parallel_loop3A_228 = %broadcast_in_dim3A_1, %parallel_loop3A_229 = %broadcast_in_dim3A_1, %parallel_loop3A_230 = %broadcast_in_dim3A_1, %parallel_loop3A_231 = %broadcast_in_dim3A_1, %parallel_loop3A_232 = %broadcast_in_dim3A_1, %parallel_loop3A_233 = %broadcast_in_dim3A_1, %parallel_loop3A_234 = %broadcast_in_dim3A_1, %parallel_loop3A_235 = %broadcast_in_dim3A_1, %parallel_loop3A_236 = %broadcast_in_dim3A_1, %parallel_loop3A_237 = %broadcast_in_dim3A_1) -> (vector<16xf32>, vector<16xf32>, vector<16xf32>, vector<16xf32>, vector<16xf32>, vector<16xf32>, vector<16xf32>, vector<16xf32>, vector<16xf32>, vector<16xf32>, vector<16xf32>, vector<16xf32>, vector<16xf32>, vector<16xf32>, vector<16xf32>, vector<16xf32>, vector<16xf32>)  : i32 {
            %parallel_loop3A_238 = arith.index_cast %rem3A_49 : i32 to index
            %parallel_loop3A_239 = arith.index_cast %parallel_loop3A_220 : i32 to index
            %parallel_loop3A_240 = arith.constant 0 : index
            %parallel_loop3A_241 = tpu.vector_load %arg7[%parallel_loop3A_238, %parallel_loop3A_239, %parallel_loop3A_240] {strides = array<i32>} : memref<2x56x256xf32, #tpu.memory_space<vmem>>, vector<16xf32>,
            %parallel_loop3A_242 = arith.index_cast %rem3A_49 : i32 to index
            %parallel_loop3A_243 = arith.index_cast %parallel_loop3A_220 : i32 to index
            %parallel_loop3A_244 = arith.constant 16 : index
            %parallel_loop3A_245 = tpu.vector_load %arg7[%parallel_loop3A_242, %parallel_loop3A_243, %parallel_loop3A_244] {strides = array<i32>} : memref<2x56x256xf32, #tpu.memory_space<vmem>>, vector<16xf32>,
            %parallel_loop3A_246 = arith.index_cast %rem3A_49 : i32 to index
            %parallel_loop3A_247 = arith.index_cast %parallel_loop3A_220 : i32 to index
            %parallel_loop3A_248 = arith.constant 32 : index
            %parallel_loop3A_249 = tpu.vector_load %arg7[%parallel_loop3A_246, %parallel_loop3A_247, %parallel_loop3A_248] {strides = array<i32>} : memref<2x56x256xf32, #tpu.memory_space<vmem>>, vector<16xf32>,
            %parallel_loop3A_250 = arith.index_cast %rem3A_49 : i32 to index
            %parallel_loop3A_251 = arith.index_cast %parallel_loop3A_220 : i32 to index
            %parallel_loop3A_252 = arith.constant 48 : index
            %parallel_loop3A_253 = tpu.vector_load %arg7[%parallel_loop3A_250, %parallel_loop3A_251, %parallel_loop3A_252] {strides = array<i32>} : memref<2x56x256xf32, #tpu.memory_space<vmem>>, vector<16xf32>,
            %parallel_loop3A_254 = arith.index_cast %rem3A_49 : i32 to index
            %parallel_loop3A_255 = arith.index_cast %parallel_loop3A_220 : i32 to index
            %parallel_loop3A_256 = arith.constant 64 : index
            %parallel_loop3A_257 = tpu.vector_load %arg7[%parallel_loop3A_254, %parallel_loop3A_255, %parallel_loop3A_256] {strides = array<i32>} : memref<2x56x256xf32, #tpu.memory_space<vmem>>, vector<16xf32>,
            %parallel_loop3A_258 = arith.index_cast %rem3A_49 : i32 to index
            %parallel_loop3A_259 = arith.index_cast %parallel_loop3A_220 : i32 to index
            %parallel_loop3A_260 = arith.constant 80 : index
            %parallel_loop3A_261 = tpu.vector_load %arg7[%parallel_loop3A_258, %parallel_loop3A_259, %parallel_loop3A_260] {strides = array<i32>} : memref<2x56x256xf32, #tpu.memory_space<vmem>>, vector<16xf32>,
            %parallel_loop3A_262 = arith.index_cast %rem3A_49 : i32 to index
            %parallel_loop3A_263 = arith.index_cast %parallel_loop3A_220 : i32 to index
            %parallel_loop3A_264 = arith.constant 96 : index
            %parallel_loop3A_265 = tpu.vector_load %arg7[%parallel_loop3A_262, %parallel_loop3A_263, %parallel_loop3A_264] {strides = array<i32>} : memref<2x56x256xf32, #tpu.memory_space<vmem>>, vector<16xf32>,
            %parallel_loop3A_266 = arith.index_cast %rem3A_49 : i32 to index
            %parallel_loop3A_267 = arith.index_cast %parallel_loop3A_220 : i32 to index
            %parallel_loop3A_268 = arith.constant 112 : index
            %parallel_loop3A_269 = tpu.vector_load %arg7[%parallel_loop3A_266, %parallel_loop3A_267, %parallel_loop3A_268] {strides = array<i32>} : memref<2x56x256xf32, #tpu.memory_space<vmem>>, vector<16xf32>,
            %parallel_loop3A_270 = arith.index_cast %rem3A_49 : i32 to index
            %parallel_loop3A_271 = arith.index_cast %parallel_loop3A_220 : i32 to index
            %parallel_loop3A_272 = arith.constant 128 : index
            %parallel_loop3A_273 = tpu.vector_load %arg7[%parallel_loop3A_270, %parallel_loop3A_271, %parallel_loop3A_272] {strides = array<i32>} : memref<2x56x256xf32, #tpu.memory_space<vmem>>, vector<16xf32>,
            %parallel_loop3A_274 = arith.index_cast %rem3A_49 : i32 to index
            %parallel_loop3A_275 = arith.index_cast %parallel_loop3A_220 : i32 to index
            %parallel_loop3A_276 = arith.constant 144 : index
            %parallel_loop3A_277 = tpu.vector_load %arg7[%parallel_loop3A_274, %parallel_loop3A_275, %parallel_loop3A_276] {strides = array<i32>} : memref<2x56x256xf32, #tpu.memory_space<vmem>>, vector<16xf32>,
            %parallel_loop3A_278 = arith.index_cast %rem3A_49 : i32 to index
            %parallel_loop3A_279 = arith.index_cast %parallel_loop3A_220 : i32 to index
            %parallel_loop3A_280 = arith.constant 160 : index
            %parallel_loop3A_281 = tpu.vector_load %arg7[%parallel_loop3A_278, %parallel_loop3A_279, %parallel_loop3A_280] {strides = array<i32>} : memref<2x56x256xf32, #tpu.memory_space<vmem>>, vector<16xf32>,
            %parallel_loop3A_282 = arith.index_cast %rem3A_49 : i32 to index
            %parallel_loop3A_283 = arith.index_cast %parallel_loop3A_220 : i32 to index
            %parallel_loop3A_284 = arith.constant 176 : index
            %parallel_loop3A_285 = tpu.vector_load %arg7[%parallel_loop3A_282, %parallel_loop3A_283, %parallel_loop3A_284] {strides = array<i32>} : memref<2x56x256xf32, #tpu.memory_space<vmem>>, vector<16xf32>,
            %parallel_loop3A_286 = arith.index_cast %rem3A_49 : i32 to index
            %parallel_loop3A_287 = arith.index_cast %parallel_loop3A_220 : i32 to index
            %parallel_loop3A_288 = arith.constant 192 : index
            %parallel_loop3A_289 = tpu.vector_load %arg7[%parallel_loop3A_286, %parallel_loop3A_287, %parallel_loop3A_288] {strides = array<i32>} : memref<2x56x256xf32, #tpu.memory_space<vmem>>, vector<16xf32>,
            %parallel_loop3A_290 = arith.index_cast %rem3A_49 : i32 to index
            %parallel_loop3A_291 = arith.index_cast %parallel_loop3A_220 : i32 to index
            %parallel_loop3A_292 = arith.constant 208 : index
            %parallel_loop3A_293 = tpu.vector_load %arg7[%parallel_loop3A_290, %parallel_loop3A_291, %parallel_loop3A_292] {strides = array<i32>} : memref<2x56x256xf32, #tpu.memory_space<vmem>>, vector<16xf32>,
            %parallel_loop3A_294 = arith.index_cast %rem3A_49 : i32 to index
            %parallel_loop3A_295 = arith.index_cast %parallel_loop3A_220 : i32 to index
            %parallel_loop3A_296 = arith.constant 224 : index
            %parallel_loop3A_297 = tpu.vector_load %arg7[%parallel_loop3A_294, %parallel_loop3A_295, %parallel_loop3A_296] {strides = array<i32>} : memref<2x56x256xf32, #tpu.memory_space<vmem>>, vector<16xf32>,
            %parallel_loop3A_298 = arith.index_cast %rem3A_49 : i32 to index
            %parallel_loop3A_299 = arith.index_cast %parallel_loop3A_220 : i32 to index
            %parallel_loop3A_300 = arith.constant 240 : index
            %parallel_loop3A_301 = tpu.vector_load %arg7[%parallel_loop3A_298, %parallel_loop3A_299, %parallel_loop3A_300] {strides = array<i32>} : memref<2x56x256xf32, #tpu.memory_space<vmem>>, vector<16xf32>,
            %parallel_loop3A_302 = arith.constant 0 : index
            %parallel_loop3A_303 = tpu.vector_load %arg9[%parallel_loop3A_302] {strides = array<i32>} : memref<256xf32, #tpu.memory_space<vmem>>, vector<16xf32>,
            %parallel_loop3A_304 = arith.mulf %parallel_loop3A_241, %parallel_loop3A_303 : vector<16xf32>
            %parallel_loop3A_305 = arith.constant 16 : index
            %parallel_loop3A_306 = tpu.vector_load %arg9[%parallel_loop3A_305] {strides = array<i32>} : memref<256xf32, #tpu.memory_space<vmem>>, vector<16xf32>,
            %parallel_loop3A_307 = arith.mulf %parallel_loop3A_245, %parallel_loop3A_306 : vector<16xf32>
            %parallel_loop3A_308 = arith.constant 32 : index
            %parallel_loop3A_309 = tpu.vector_load %arg9[%parallel_loop3A_308] {strides = array<i32>} : memref<256xf32, #tpu.memory_space<vmem>>, vector<16xf32>,
            %parallel_loop3A_310 = arith.mulf %parallel_loop3A_249, %parallel_loop3A_309 : vector<16xf32>
            %parallel_loop3A_311 = arith.constant 48 : index
            %parallel_loop3A_312 = tpu.vector_load %arg9[%parallel_loop3A_311] {strides = array<i32>} : memref<256xf32, #tpu.memory_space<vmem>>, vector<16xf32>,
            %parallel_loop3A_313 = arith.mulf %parallel_loop3A_253, %parallel_loop3A_312 : vector<16xf32>
            %parallel_loop3A_314 = arith.constant 64 : index
            %parallel_loop3A_315 = tpu.vector_load %arg9[%parallel_loop3A_314] {strides = array<i32>} : memref<256xf32, #tpu.memory_space<vmem>>, vector<16xf32>,
            %parallel_loop3A_316 = arith.mulf %parallel_loop3A_257, %parallel_loop3A_315 : vector<16xf32>
            %parallel_loop3A_317 = arith.constant 80 : index
            %parallel_loop3A_318 = tpu.vector_load %arg9[%parallel_loop3A_317] {strides = array<i32>} : memref<256xf32, #tpu.memory_space<vmem>>, vector<16xf32>,
            %parallel_loop3A_319 = arith.mulf %parallel_loop3A_261, %parallel_loop3A_318 : vector<16xf32>
            %parallel_loop3A_320 = arith.constant 96 : index
            %parallel_loop3A_321 = tpu.vector_load %arg9[%parallel_loop3A_320] {strides = array<i32>} : memref<256xf32, #tpu.memory_space<vmem>>, vector<16xf32>,
            %parallel_loop3A_322 = arith.mulf %parallel_loop3A_265, %parallel_loop3A_321 : vector<16xf32>
            %parallel_loop3A_323 = arith.constant 112 : index
            %parallel_loop3A_324 = tpu.vector_load %arg9[%parallel_loop3A_323] {strides = array<i32>} : memref<256xf32, #tpu.memory_space<vmem>>, vector<16xf32>,
            %parallel_loop3A_325 = arith.mulf %parallel_loop3A_269, %parallel_loop3A_324 : vector<16xf32>
            %parallel_loop3A_326 = arith.constant 128 : index
            %parallel_loop3A_327 = tpu.vector_load %arg9[%parallel_loop3A_326] {strides = array<i32>} : memref<256xf32, #tpu.memory_space<vmem>>, vector<16xf32>,
            %parallel_loop3A_328 = arith.mulf %parallel_loop3A_273, %parallel_loop3A_327 : vector<16xf32>
            %parallel_loop3A_329 = arith.constant 144 : index
            %parallel_loop3A_330 = tpu.vector_load %arg9[%parallel_loop3A_329] {strides = array<i32>} : memref<256xf32, #tpu.memory_space<vmem>>, vector<16xf32>,
            %parallel_loop3A_331 = arith.mulf %parallel_loop3A_277, %parallel_loop3A_330 : vector<16xf32>
            %parallel_loop3A_332 = arith.constant 160 : index
            %parallel_loop3A_333 = tpu.vector_load %arg9[%parallel_loop3A_332] {strides = array<i32>} : memref<256xf32, #tpu.memory_space<vmem>>, vector<16xf32>,
            %parallel_loop3A_334 = arith.mulf %parallel_loop3A_281, %parallel_loop3A_333 : vector<16xf32>
            %parallel_loop3A_335 = arith.constant 176 : index
            %parallel_loop3A_336 = tpu.vector_load %arg9[%parallel_loop3A_335] {strides = array<i32>} : memref<256xf32, #tpu.memory_space<vmem>>, vector<16xf32>,
            %parallel_loop3A_337 = arith.mulf %parallel_loop3A_285, %parallel_loop3A_336 : vector<16xf32>
            %parallel_loop3A_338 = arith.constant 192 : index
            %parallel_loop3A_339 = tpu.vector_load %arg9[%parallel_loop3A_338] {strides = array<i32>} : memref<256xf32, #tpu.memory_space<vmem>>, vector<16xf32>,
            %parallel_loop3A_340 = arith.mulf %parallel_loop3A_289, %parallel_loop3A_339 : vector<16xf32>
            %parallel_loop3A_341 = arith.constant 208 : index
            %parallel_loop3A_342 = tpu.vector_load %arg9[%parallel_loop3A_341] {strides = array<i32>} : memref<256xf32, #tpu.memory_space<vmem>>, vector<16xf32>,
            %parallel_loop3A_343 = arith.mulf %parallel_loop3A_293, %parallel_loop3A_342 : vector<16xf32>
            %parallel_loop3A_344 = arith.constant 224 : index
            %parallel_loop3A_345 = tpu.vector_load %arg9[%parallel_loop3A_344] {strides = array<i32>} : memref<256xf32, #tpu.memory_space<vmem>>, vector<16xf32>,
            %parallel_loop3A_346 = arith.mulf %parallel_loop3A_297, %parallel_loop3A_345 : vector<16xf32>
            %parallel_loop3A_347 = arith.constant 240 : index
            %parallel_loop3A_348 = tpu.vector_load %arg9[%parallel_loop3A_347] {strides = array<i32>} : memref<256xf32, #tpu.memory_space<vmem>>, vector<16xf32>,
            %parallel_loop3A_349 = arith.mulf %parallel_loop3A_301, %parallel_loop3A_348 : vector<16xf32>
            %parallel_loop3A_350 = arith.addf %parallel_loop3A_304, %parallel_loop3A_307 : vector<16xf32>
            %parallel_loop3A_351 = arith.addf %parallel_loop3A_310, %parallel_loop3A_313 : vector<16xf32>
            %parallel_loop3A_352 = arith.addf %parallel_loop3A_316, %parallel_loop3A_319 : vector<16xf32>
            %parallel_loop3A_353 = arith.addf %parallel_loop3A_322, %parallel_loop3A_325 : vector<16xf32>
            %parallel_loop3A_354 = arith.addf %parallel_loop3A_328, %parallel_loop3A_331 : vector<16xf32>
            %parallel_loop3A_355 = arith.addf %parallel_loop3A_334, %parallel_loop3A_337 : vector<16xf32>
            %parallel_loop3A_356 = arith.addf %parallel_loop3A_340, %parallel_loop3A_343 : vector<16xf32>
            %parallel_loop3A_357 = arith.addf %parallel_loop3A_346, %parallel_loop3A_349 : vector<16xf32>
            %parallel_loop3A_358 = arith.addf %parallel_loop3A_350, %parallel_loop3A_351 : vector<16xf32>
            %parallel_loop3A_359 = arith.addf %parallel_loop3A_352, %parallel_loop3A_353 : vector<16xf32>
            %parallel_loop3A_360 = arith.addf %parallel_loop3A_354, %parallel_loop3A_355 : vector<16xf32>
            %parallel_loop3A_361 = arith.addf %parallel_loop3A_356, %parallel_loop3A_357 : vector<16xf32>
            %parallel_loop3A_362 = arith.addf %parallel_loop3A_358, %parallel_loop3A_359 : vector<16xf32>
            %parallel_loop3A_363 = arith.addf %parallel_loop3A_360, %parallel_loop3A_361 : vector<16xf32>
            %parallel_loop3A_364 = arith.addf %parallel_loop3A_362, %parallel_loop3A_363 : vector<16xf32>
            %parallel_loop3A_365 = arith.constant true
            %parallel_loop3A_366 = vector.broadcast %parallel_loop3A_365 : i1 to vector<16xi1>
            %parallel_loop3A_367 = tpu.scan <sum>, %parallel_loop3A_364 masked %parallel_loop3A_366 : vector<16xf32>, vector<16xi1> -> vector<16xf32>
            %parallel_loop3A_368 = vector.extract %parallel_loop3A_367[15] : f32 from vector<16xf32>
            %parallel_loop3A_369 = vector.broadcast %parallel_loop3A_368 : f32 to vector<16xf32>
            %parallel_loop3A_370 = arith.addf %broadcast_in_dim3A_1, %parallel_loop3A_369 : vector<16xf32>
            %parallel_loop3A_371 = math.exp %parallel_loop3A_370 : vector<16xf32>
            %parallel_loop3A_372 = arith.addf %parallel_loop3A_221, %parallel_loop3A_371 : vector<16xf32>
            %parallel_loop3A_373 = arith.mulf %parallel_loop3A_371, %parallel_loop3A_241 : vector<16xf32>
            %parallel_loop3A_374 = arith.addf %parallel_loop3A_222, %parallel_loop3A_373 : vector<16xf32>
            %parallel_loop3A_375 = arith.mulf %parallel_loop3A_371, %parallel_loop3A_245 : vector<16xf32>
            %parallel_loop3A_376 = arith.addf %parallel_loop3A_223, %parallel_loop3A_375 : vector<16xf32>
            %parallel_loop3A_377 = arith.mulf %parallel_loop3A_371, %parallel_loop3A_249 : vector<16xf32>
            %parallel_loop3A_378 = arith.addf %parallel_loop3A_224, %parallel_loop3A_377 : vector<16xf32>
            %parallel_loop3A_379 = arith.mulf %parallel_loop3A_371, %parallel_loop3A_253 : vector<16xf32>
            %parallel_loop3A_380 = arith.addf %parallel_loop3A_225, %parallel_loop3A_379 : vector<16xf32>
            %parallel_loop3A_381 = arith.mulf %parallel_loop3A_371, %parallel_loop3A_257 : vector<16xf32>
            %parallel_loop3A_382 = arith.addf %parallel_loop3A_226, %parallel_loop3A_381 : vector<16xf32>
            %parallel_loop3A_383 = arith.mulf %parallel_loop3A_371, %parallel_loop3A_261 : vector<16xf32>
            %parallel_loop3A_384 = arith.addf %parallel_loop3A_227, %parallel_loop3A_383 : vector<16xf32>
            %parallel_loop3A_385 = arith.mulf %parallel_loop3A_371, %parallel_loop3A_265 : vector<16xf32>
            %parallel_loop3A_386 = arith.addf %parallel_loop3A_228, %parallel_loop3A_385 : vector<16xf32>
            %parallel_loop3A_387 = arith.mulf %parallel_loop3A_371, %parallel_loop3A_269 : vector<16xf32>
            %parallel_loop3A_388 = arith.addf %parallel_loop3A_229, %parallel_loop3A_387 : vector<16xf32>
            %parallel_loop3A_389 = arith.mulf %parallel_loop3A_371, %parallel_loop3A_273 : vector<16xf32>
            %parallel_loop3A_390 = arith.addf %parallel_loop3A_230, %parallel_loop3A_389 : vector<16xf32>
            %parallel_loop3A_391 = arith.mulf %parallel_loop3A_371, %parallel_loop3A_277 : vector<16xf32>
            %parallel_loop3A_392 = arith.addf %parallel_loop3A_231, %parallel_loop3A_391 : vector<16xf32>
            %parallel_loop3A_393 = arith.mulf %parallel_loop3A_371, %parallel_loop3A_281 : vector<16xf32>
            %parallel_loop3A_394 = arith.addf %parallel_loop3A_232, %parallel_loop3A_393 : vector<16xf32>
            %parallel_loop3A_395 = arith.mulf %parallel_loop3A_371, %parallel_loop3A_285 : vector<16xf32>
            %parallel_loop3A_396 = arith.addf %parallel_loop3A_233, %parallel_loop3A_395 : vector<16xf32>
            %parallel_loop3A_397 = arith.mulf %parallel_loop3A_371, %parallel_loop3A_289 : vector<16xf32>
            %parallel_loop3A_398 = arith.addf %parallel_loop3A_234, %parallel_loop3A_397 : vector<16xf32>
            %parallel_loop3A_399 = arith.mulf %parallel_loop3A_371, %parallel_loop3A_293 : vector<16xf32>
            %parallel_loop3A_400 = arith.addf %parallel_loop3A_235, %parallel_loop3A_399 : vector<16xf32>
            %parallel_loop3A_401 = arith.mulf %parallel_loop3A_371, %parallel_loop3A_297 : vector<16xf32>
            %parallel_loop3A_402 = arith.addf %parallel_loop3A_236, %parallel_loop3A_401 : vector<16xf32>
            %parallel_loop3A_403 = arith.mulf %parallel_loop3A_371, %parallel_loop3A_301 : vector<16xf32>
            %parallel_loop3A_404 = arith.addf %parallel_loop3A_237, %parallel_loop3A_403 : vector<16xf32>
            scf.yield %parallel_loop3A_372, %parallel_loop3A_374, %parallel_loop3A_376, %parallel_loop3A_378, %parallel_loop3A_380, %parallel_loop3A_382, %parallel_loop3A_384, %parallel_loop3A_386, %parallel_loop3A_388, %parallel_loop3A_390, %parallel_loop3A_392, %parallel_loop3A_394, %parallel_loop3A_396, %parallel_loop3A_398, %parallel_loop3A_400, %parallel_loop3A_402, %parallel_loop3A_404 : vector<16xf32>, vector<16xf32>, vector<16xf32>, vector<16xf32>, vector<16xf32>, vector<16xf32>, vector<16xf32>, vector<16xf32>, vector<16xf32>, vector<16xf32>, vector<16xf32>, vector<16xf32>, vector<16xf32>, vector<16xf32>, vector<16xf32>, vector<16xf32>, vector<16xf32>
          } {sc.loop_unroll_factor = 2 : i64, sc.parallel_access}
          %get3A_101 = arith.index_cast %squeeze3A : i32 to index
          %get3A_102 = arith.constant 0 : index
          %get3A_103 = tpu.vector_load %arg10[%get3A_101, %get3A_102] {strides = array<i32>} : memref<256x256xf32, #tpu.memory_space<vmem>>, vector<16xf32>,
          %add3A_104 = arith.addf %get3A_103, %parallel_loop3A_100#1 : vector<16xf32>
          %swap3A_105 = arith.index_cast %squeeze3A : i32 to index
          %swap3A_106 = arith.constant 0 : index
          %swap3A_107 = tpu.vector_load %arg10[%swap3A_105, %swap3A_106] {strides = array<i32>} : memref<256x256xf32, #tpu.memory_space<vmem>>, vector<16xf32>,
          tpu.vector_store %arg10[%swap3A_105, %swap3A_106], %add3A_104 {strides = array<i32>} : memref<256x256xf32, #tpu.memory_space<vmem>>, vector<16xf32>,
          %get3A_108 = arith.index_cast %squeeze3A : i32 to index
          %get3A_109 = arith.constant 16 : index
          %get3A_110 = tpu.vector_load %arg10[%get3A_108, %get3A_109] {strides = array<i32>} : memref<256x256xf32, #tpu.memory_space<vmem>>, vector<16xf32>,
          %add3A_111 = arith.addf %get3A_110, %parallel_loop3A_100#2 : vector<16xf32>
          %swap3A_112 = arith.index_cast %squeeze3A : i32 to index
          %swap3A_113 = arith.constant 16 : index
          %swap3A_114 = tpu.vector_load %arg10[%swap3A_112, %swap3A_113] {strides = array<i32>} : memref<256x256xf32, #tpu.memory_space<vmem>>, vector<16xf32>,
          tpu.vector_store %arg10[%swap3A_112, %swap3A_113], %add3A_111 {strides = array<i32>} : memref<256x256xf32, #tpu.memory_space<vmem>>, vector<16xf32>,
          %get3A_115 = arith.index_cast %squeeze3A : i32 to index
          %get3A_116 = arith.constant 32 : index
          %get3A_117 = tpu.vector_load %arg10[%get3A_115, %get3A_116] {strides = array<i32>} : memref<256x256xf32, #tpu.memory_space<vmem>>, vector<16xf32>,
          %add3A_118 = arith.addf %get3A_117, %parallel_loop3A_100#3 : vector<16xf32>
          %swap3A_119 = arith.index_cast %squeeze3A : i32 to index
          %swap3A_120 = arith.constant 32 : index
          %swap3A_121 = tpu.vector_load %arg10[%swap3A_119, %swap3A_120] {strides = array<i32>} : memref<256x256xf32, #tpu.memory_space<vmem>>, vector<16xf32>,
          tpu.vector_store %arg10[%swap3A_119, %swap3A_120], %add3A_118 {strides = array<i32>} : memref<256x256xf32, #tpu.memory_space<vmem>>, vector<16xf32>,
          %get3A_122 = arith.index_cast %squeeze3A : i32 to index
          %get3A_123 = arith.constant 48 : index
          %get3A_124 = tpu.vector_load %arg10[%get3A_122, %get3A_123] {strides = array<i32>} : memref<256x256xf32, #tpu.memory_space<vmem>>, vector<16xf32>,
          %add3A_125 = arith.addf %get3A_124, %parallel_loop3A_100#4 : vector<16xf32>
          %swap3A_126 = arith.index_cast %squeeze3A : i32 to index
          %swap3A_127 = arith.constant 48 : index
          %swap3A_128 = tpu.vector_load %arg10[%swap3A_126, %swap3A_127] {strides = array<i32>} : memref<256x256xf32, #tpu.memory_space<vmem>>, vector<16xf32>,
          tpu.vector_store %arg10[%swap3A_126, %swap3A_127], %add3A_125 {strides = array<i32>} : memref<256x256xf32, #tpu.memory_space<vmem>>, vector<16xf32>,
          %get3A_129 = arith.index_cast %squeeze3A : i32 to index
          %get3A_130 = arith.constant 64 : index
          %get3A_131 = tpu.vector_load %arg10[%get3A_129, %get3A_130] {strides = array<i32>} : memref<256x256xf32, #tpu.memory_space<vmem>>, vector<16xf32>,
          %add3A_132 = arith.addf %get3A_131, %parallel_loop3A_100#5 : vector<16xf32>
          %swap3A_133 = arith.index_cast %squeeze3A : i32 to index
          %swap3A_134 = arith.constant 64 : index
          %swap3A_135 = tpu.vector_load %arg10[%swap3A_133, %swap3A_134] {strides = array<i32>} : memref<256x256xf32, #tpu.memory_space<vmem>>, vector<16xf32>,
          tpu.vector_store %arg10[%swap3A_133, %swap3A_134], %add3A_132 {strides = array<i32>} : memref<256x256xf32, #tpu.memory_space<vmem>>, vector<16xf32>,
          %get3A_136 = arith.index_cast %squeeze3A : i32 to index
          %get3A_137 = arith.constant 80 : index
          %get3A_138 = tpu.vector_load %arg10[%get3A_136, %get3A_137] {strides = array<i32>} : memref<256x256xf32, #tpu.memory_space<vmem>>, vector<16xf32>,
          %add3A_139 = arith.addf %get3A_138, %parallel_loop3A_100#6 : vector<16xf32>
          %swap3A_140 = arith.index_cast %squeeze3A : i32 to index
          %swap3A_141 = arith.constant 80 : index
          %swap3A_142 = tpu.vector_load %arg10[%swap3A_140, %swap3A_141] {strides = array<i32>} : memref<256x256xf32, #tpu.memory_space<vmem>>, vector<16xf32>,
          tpu.vector_store %arg10[%swap3A_140, %swap3A_141], %add3A_139 {strides = array<i32>} : memref<256x256xf32, #tpu.memory_space<vmem>>, vector<16xf32>,
          %get3A_143 = arith.index_cast %squeeze3A : i32 to index
          %get3A_144 = arith.constant 96 : index
          %get3A_145 = tpu.vector_load %arg10[%get3A_143, %get3A_144] {strides = array<i32>} : memref<256x256xf32, #tpu.memory_space<vmem>>, vector<16xf32>,
          %add3A_146 = arith.addf %get3A_145, %parallel_loop3A_100#7 : vector<16xf32>
          %swap3A_147 = arith.index_cast %squeeze3A : i32 to index
          %swap3A_148 = arith.constant 96 : index
          %swap3A_149 = tpu.vector_load %arg10[%swap3A_147, %swap3A_148] {strides = array<i32>} : memref<256x256xf32, #tpu.memory_space<vmem>>, vector<16xf32>,
          tpu.vector_store %arg10[%swap3A_147, %swap3A_148], %add3A_146 {strides = array<i32>} : memref<256x256xf32, #tpu.memory_space<vmem>>, vector<16xf32>,
          %get3A_150 = arith.index_cast %squeeze3A : i32 to index
          %get3A_151 = arith.constant 112 : index
          %get3A_152 = tpu.vector_load %arg10[%get3A_150, %get3A_151] {strides = array<i32>} : memref<256x256xf32, #tpu.memory_space<vmem>>, vector<16xf32>,
          %add3A_153 = arith.addf %get3A_152, %parallel_loop3A_100#8 : vector<16xf32>
          %swap3A_154 = arith.index_cast %squeeze3A : i32 to index
          %swap3A_155 = arith.constant 112 : index
          %swap3A_156 = tpu.vector_load %arg10[%swap3A_154, %swap3A_155] {strides = array<i32>} : memref<256x256xf32, #tpu.memory_space<vmem>>, vector<16xf32>,
          tpu.vector_store %arg10[%swap3A_154, %swap3A_155], %add3A_153 {strides = array<i32>} : memref<256x256xf32, #tpu.memory_space<vmem>>, vector<16xf32>,
          %get3A_157 = arith.index_cast %squeeze3A : i32 to index
          %get3A_158 = arith.constant 128 : index
          %get3A_159 = tpu.vector_load %arg10[%get3A_157, %get3A_158] {strides = array<i32>} : memref<256x256xf32, #tpu.memory_space<vmem>>, vector<16xf32>,
          %add3A_160 = arith.addf %get3A_159, %parallel_loop3A_100#9 : vector<16xf32>
          %swap3A_161 = arith.index_cast %squeeze3A : i32 to index
          %swap3A_162 = arith.constant 128 : index
          %swap3A_163 = tpu.vector_load %arg10[%swap3A_161, %swap3A_162] {strides = array<i32>} : memref<256x256xf32, #tpu.memory_space<vmem>>, vector<16xf32>,
          tpu.vector_store %arg10[%swap3A_161, %swap3A_162], %add3A_160 {strides = array<i32>} : memref<256x256xf32, #tpu.memory_space<vmem>>, vector<16xf32>,
          %get3A_164 = arith.index_cast %squeeze3A : i32 to index
          %get3A_165 = arith.constant 144 : index
          %get3A_166 = tpu.vector_load %arg10[%get3A_164, %get3A_165] {strides = array<i32>} : memref<256x256xf32, #tpu.memory_space<vmem>>, vector<16xf32>,
          %add3A_167 = arith.addf %get3A_166, %parallel_loop3A_100#10 : vector<16xf32>
          %swap3A_168 = arith.index_cast %squeeze3A : i32 to index
          %swap3A_169 = arith.constant 144 : index
          %swap3A_170 = tpu.vector_load %arg10[%swap3A_168, %swap3A_169] {strides = array<i32>} : memref<256x256xf32, #tpu.memory_space<vmem>>, vector<16xf32>,
          tpu.vector_store %arg10[%swap3A_168, %swap3A_169], %add3A_167 {strides = array<i32>} : memref<256x256xf32, #tpu.memory_space<vmem>>, vector<16xf32>,
          %get3A_171 = arith.index_cast %squeeze3A : i32 to index
          %get3A_172 = arith.constant 160 : index
          %get3A_173 = tpu.vector_load %arg10[%get3A_171, %get3A_172] {strides = array<i32>} : memref<256x256xf32, #tpu.memory_space<vmem>>, vector<16xf32>,
          %add3A_174 = arith.addf %get3A_173, %parallel_loop3A_100#11 : vector<16xf32>
          %swap3A_175 = arith.index_cast %squeeze3A : i32 to index
          %swap3A_176 = arith.constant 160 : index
          %swap3A_177 = tpu.vector_load %arg10[%swap3A_175, %swap3A_176] {strides = array<i32>} : memref<256x256xf32, #tpu.memory_space<vmem>>, vector<16xf32>,
          tpu.vector_store %arg10[%swap3A_175, %swap3A_176], %add3A_174 {strides = array<i32>} : memref<256x256xf32, #tpu.memory_space<vmem>>, vector<16xf32>,
          %get3A_178 = arith.index_cast %squeeze3A : i32 to index
          %get3A_179 = arith.constant 176 : index
          %get3A_180 = tpu.vector_load %arg10[%get3A_178, %get3A_179] {strides = array<i32>} : memref<256x256xf32, #tpu.memory_space<vmem>>, vector<16xf32>,
          %add3A_181 = arith.addf %get3A_180, %parallel_loop3A_100#12 : vector<16xf32>
          %swap3A_182 = arith.index_cast %squeeze3A : i32 to index
          %swap3A_183 = arith.constant 176 : index
          %swap3A_184 = tpu.vector_load %arg10[%swap3A_182, %swap3A_183] {strides = array<i32>} : memref<256x256xf32, #tpu.memory_space<vmem>>, vector<16xf32>,
          tpu.vector_store %arg10[%swap3A_182, %swap3A_183], %add3A_181 {strides = array<i32>} : memref<256x256xf32, #tpu.memory_space<vmem>>, vector<16xf32>,
          %get3A_185 = arith.index_cast %squeeze3A : i32 to index
          %get3A_186 = arith.constant 192 : index
          %get3A_187 = tpu.vector_load %arg10[%get3A_185, %get3A_186] {strides = array<i32>} : memref<256x256xf32, #tpu.memory_space<vmem>>, vector<16xf32>,
          %add3A_188 = arith.addf %get3A_187, %parallel_loop3A_100#13 : vector<16xf32>
          %swap3A_189 = arith.index_cast %squeeze3A : i32 to index
          %swap3A_190 = arith.constant 192 : index
          %swap3A_191 = tpu.vector_load %arg10[%swap3A_189, %swap3A_190] {strides = array<i32>} : memref<256x256xf32, #tpu.memory_space<vmem>>, vector<16xf32>,
          tpu.vector_store %arg10[%swap3A_189, %swap3A_190], %add3A_188 {strides = array<i32>} : memref<256x256xf32, #tpu.memory_space<vmem>>, vector<16xf32>,
          %get3A_192 = arith.index_cast %squeeze3A : i32 to index
          %get3A_193 = arith.constant 208 : index
          %get3A_194 = tpu.vector_load %arg10[%get3A_192, %get3A_193] {strides = array<i32>} : memref<256x256xf32, #tpu.memory_space<vmem>>, vector<16xf32>,
          %add3A_195 = arith.addf %get3A_194, %parallel_loop3A_100#14 : vector<16xf32>
          %swap3A_196 = arith.index_cast %squeeze3A : i32 to index
          %swap3A_197 = arith.constant 208 : index
          %swap3A_198 = tpu.vector_load %arg10[%swap3A_196, %swap3A_197] {strides = array<i32>} : memref<256x256xf32, #tpu.memory_space<vmem>>, vector<16xf32>,
          tpu.vector_store %arg10[%swap3A_196, %swap3A_197], %add3A_195 {strides = array<i32>} : memref<256x256xf32, #tpu.memory_space<vmem>>, vector<16xf32>,
          %get3A_199 = arith.index_cast %squeeze3A : i32 to index
          %get3A_200 = arith.constant 224 : index
          %get3A_201 = tpu.vector_load %arg10[%get3A_199, %get3A_200] {strides = array<i32>} : memref<256x256xf32, #tpu.memory_space<vmem>>, vector<16xf32>,
          %add3A_202 = arith.addf %get3A_201, %parallel_loop3A_100#15 : vector<16xf32>
          %swap3A_203 = arith.index_cast %squeeze3A : i32 to index
          %swap3A_204 = arith.constant 224 : index
          %swap3A_205 = tpu.vector_load %arg10[%swap3A_203, %swap3A_204] {strides = array<i32>} : memref<256x256xf32, #tpu.memory_space<vmem>>, vector<16xf32>,
          tpu.vector_store %arg10[%swap3A_203, %swap3A_204], %add3A_202 {strides = array<i32>} : memref<256x256xf32, #tpu.memory_space<vmem>>, vector<16xf32>,
          %get3A_206 = arith.index_cast %squeeze3A : i32 to index
          %get3A_207 = arith.constant 240 : index
          %get3A_208 = tpu.vector_load %arg10[%get3A_206, %get3A_207] {strides = array<i32>} : memref<256x256xf32, #tpu.memory_space<vmem>>, vector<16xf32>,
          %add3A_209 = arith.addf %get3A_208, %parallel_loop3A_100#16 : vector<16xf32>
          %swap3A_210 = arith.index_cast %squeeze3A : i32 to index
          %swap3A_211 = arith.constant 240 : index
          %swap3A_212 = tpu.vector_load %arg10[%swap3A_210, %swap3A_211] {strides = array<i32>} : memref<256x256xf32, #tpu.memory_space<vmem>>, vector<16xf32>,
          tpu.vector_store %arg10[%swap3A_210, %swap3A_211], %add3A_209 {strides = array<i32>} : memref<256x256xf32, #tpu.memory_space<vmem>>, vector<16xf32>,
          %get3A_213 = arith.index_cast %squeeze3A : i32 to index
          %get3A_214 = arith.constant 0 : index
          %get3A_215 = tpu.vector_load %arg11[%get3A_213, %get3A_214] {strides = array<i32>} : memref<256x16xf32, #tpu.memory_space<vmem>>, vector<16xf32>,
          %add3A_216 = arith.addf %get3A_215, %parallel_loop3A_100#0 : vector<16xf32>
          %swap3A_217 = arith.index_cast %squeeze3A : i32 to index
          %swap3A_218 = arith.constant 0 : index
          %swap3A_219 = tpu.vector_load %arg11[%swap3A_217, %swap3A_218] {strides = array<i32>} : memref<256x16xf32, #tpu.memory_space<vmem>>, vector<16xf32>,
          tpu.vector_store %arg11[%swap3A_217, %swap3A_218], %add3A_216 {strides = array<i32>} : memref<256x16xf32, #tpu.memory_space<vmem>>, vector<16xf32>,
          scf.yield %scan3A_97#1 : i32
        }
      } else {
      }
    }
    %scan3A_39 = arith.constant 28 : i32
    "tpu.region"() ({
      %run_scoped3A = tpu.sem_alloc : memref<!tpu.dma_semaphore, #tpu.memory_space<semaphore_mem>>
      %dma_start3A_40 = arith.constant 0 : i32
      %dma_start3A_41 = arith.constant 0 : i32
      %dma_start3A_42 = tpu.memref_slice %arg5[%add3A, %dma_start3A_40, %dma_start3A_41] : memref<32x256x256xf32, #tpu.memory_space<hbm>> -> memref<1x256x256xf32, #tpu.memory_space<hbm>>
      %dma_start3A_43 = tpu.memref_squeeze %dma_start3A_42 : memref<1x256x256xf32, #tpu.memory_space<hbm>> -> memref<256x256xf32, #tpu.memory_space<hbm>>
      %dma_start3A_44 = arith.constant 0 : i32
      %dma_start3A_45 = arith.constant 0 : i32
      %dma_start3A_46 = tpu.memref_slice %arg5[%add3A, %dma_start3A_44, %dma_start3A_45] : memref<32x256x256xf32, #tpu.memory_space<hbm>> -> memref<1x256x256xf32, #tpu.memory_space<hbm>>
      %dma_start3A_47 = tpu.memref_squeeze %dma_start3A_46 : memref<1x256x256xf32, #tpu.memory_space<hbm>> -> memref<256x256xf32, #tpu.memory_space<hbm>>
      tpu.enqueue_dma source(%arg10 : memref<256x256xf32, #tpu.memory_space<vmem>>) target(%dma_start3A_47 : memref<256x256xf32, #tpu.memory_space<hbm>>) target_semaphore(%run_scoped3A : memref<!tpu.dma_semaphore, #tpu.memory_space<semaphore_mem>>)
      %dma_wait3A = arith.constant 0 : i32
      %dma_wait3A_48 = arith.constant 0 : i32
      %dma_wait3A_49 = tpu.memref_slice %arg5[%add3A, %dma_wait3A, %dma_wait3A_48] : memref<32x256x256xf32, #tpu.memory_space<hbm>> -> memref<1x256x256xf32, #tpu.memory_space<hbm>>
      %dma_wait3A_50 = tpu.memref_squeeze %dma_wait3A_49 : memref<1x256x256xf32, #tpu.memory_space<hbm>> -> memref<256x256xf32, #tpu.memory_space<hbm>>
      %dma_wait3A_51 = arith.constant 0 : i32
      %dma_wait3A_52 = arith.constant 0 : i32
      %dma_wait3A_53 = tpu.memref_slice %arg5[%add3A, %dma_wait3A_51, %dma_wait3A_52] : memref<32x256x256xf32, #tpu.memory_space<hbm>> -> memref<1x256x256xf32, #tpu.memory_space<hbm>>
      %dma_wait3A_54 = tpu.memref_squeeze %dma_wait3A_53 : memref<1x256x256xf32, #tpu.memory_space<hbm>> -> memref<256x256xf32, #tpu.memory_space<hbm>>
      tpu.wait_dma2 semaphore(%run_scoped3A : memref<!tpu.dma_semaphore, #tpu.memory_space<semaphore_mem>>) src(%arg10 : memref<256x256xf32, #tpu.memory_space<vmem>>) dst(%dma_wait3A_54 : memref<256x256xf32, #tpu.memory_space<hbm>>)
      tpu.yield
    }) : () -> ()
    "tpu.region"() ({
      %run_scoped3A = tpu.sem_alloc : memref<!tpu.dma_semaphore, #tpu.memory_space<semaphore_mem>>
      %dma_start3A_40 = arith.constant 0 : i32
      %dma_start3A_41 = arith.constant 0 : i32
      %dma_start3A_42 = tpu.memref_slice %arg6[%add3A, %dma_start3A_40, %dma_start3A_41] : memref<32x256x16xf32, #tpu.memory_space<hbm>> -> memref<1x256x16xf32, #tpu.memory_space<hbm>>
      %dma_start3A_43 = tpu.memref_squeeze %dma_start3A_42 : memref<1x256x16xf32, #tpu.memory_space<hbm>> -> memref<256x16xf32, #tpu.memory_space<hbm>>
      %dma_start3A_44 = arith.constant 0 : i32
      %dma_start3A_45 = arith.constant 0 : i32
      %dma_start3A_46 = tpu.memref_slice %arg6[%add3A, %dma_start3A_44, %dma_start3A_45] : memref<32x256x16xf32, #tpu.memory_space<hbm>> -> memref<1x256x16xf32, #tpu.memory_space<hbm>>
      %dma_start3A_47 = tpu.memref_squeeze %dma_start3A_46 : memref<1x256x16xf32, #tpu.memory_space<hbm>> -> memref<256x16xf32, #tpu.memory_space<hbm>>
      tpu.enqueue_dma source(%arg11 : memref<256x16xf32, #tpu.memory_space<vmem>>) target(%dma_start3A_47 : memref<256x16xf32, #tpu.memory_space<hbm>>) target_semaphore(%run_scoped3A : memref<!tpu.dma_semaphore, #tpu.memory_space<semaphore_mem>>)
      %dma_wait3A = arith.constant 0 : i32
      %dma_wait3A_48 = arith.constant 0 : i32
      %dma_wait3A_49 = tpu.memref_slice %arg6[%add3A, %dma_wait3A, %dma_wait3A_48] : memref<32x256x16xf32, #tpu.memory_space<hbm>> -> memref<1x256x16xf32, #tpu.memory_space<hbm>>
      %dma_wait3A_50 = tpu.memref_squeeze %dma_wait3A_49 : memref<1x256x16xf32, #tpu.memory_space<hbm>> -> memref<256x16xf32, #tpu.memory_space<hbm>>
      %dma_wait3A_51 = arith.constant 0 : i32
      %dma_wait3A_52 = arith.constant 0 : i32
      %dma_wait3A_53 = tpu.memref_slice %arg6[%add3A, %dma_wait3A_51, %dma_wait3A_52] : memref<32x256x16xf32, #tpu.memory_space<hbm>> -> memref<1x256x16xf32, #tpu.memory_space<hbm>>
      %dma_wait3A_54 = tpu.memref_squeeze %dma_wait3A_53 : memref<1x256x16xf32, #tpu.memory_space<hbm>> -> memref<256x16xf32, #tpu.memory_space<hbm>>
      tpu.wait_dma2 semaphore(%run_scoped3A : memref<!tpu.dma_semaphore, #tpu.memory_space<semaphore_mem>>) src(%arg11 : memref<256x16xf32, #tpu.memory_space<vmem>>) dst(%dma_wait3A_54 : memref<256x16xf32, #tpu.memory_space<hbm>>)
      tpu.yield
    }) : () -> ()
    return
  }
}

module attributes {stable_mosaic.version = 14 : i64} {
  func.func @_tc_body(%arg0: memref<32x256x256xf32, #tpu.memory_space<vmem>>, %arg1: memref<32x256x16xf32, #tpu.memory_space<vmem>>, %arg2: memref<48x256xf32, #tpu.memory_space<vmem>>, %arg3: memref<48x256xi32, #tpu.memory_space<vmem>>, %arg4: memref<256x256xf32, #tpu.memory_space<vmem>>, %arg5: memref<256x1xf32, #tpu.memory_space<vmem>>, %arg6: memref<1x1xf32, #tpu.memory_space<vmem>>, %arg7: memref<256x256xf32, #tpu.memory_space<vmem>>, %arg8: memref<1x256xf32, #tpu.memory_space<vmem>>, %arg9: memref<256x256xf32, #tpu.memory_space<vmem>>, %arg10: memref<256x256xf32, #tpu.memory_space<vmem>>, %arg11: memref<1x256xf32, #tpu.memory_space<vmem>>, %arg12: memref<256x256xf32, #tpu.memory_space<vmem>>) attributes {dimension_semantics = [], scalar_prefetch = 0 : i64, scratch_operands = 0 : i64, tpu.core_type = #tpu.core_type<tc>} {
    %get3A = arith.constant 0 : index
    %get3A_0 = arith.constant 0 : index
    %get3A_1 = arith.constant 0 : index
    %get3A_2 = vector.load %arg0[%get3A, %get3A_0, %get3A_1] : memref<32x256x256xf32, #tpu.memory_space<vmem>>, vector<32x256x256xf32>
    %reduce_sum3A = arith.constant dense<0.000000e+00> : vector<256x256xf32>
    %reduce_sum3A_3 = vector.multi_reduction <add>, %get3A_2, %reduce_sum3A [0] : vector<32x256x256xf32> to vector<256x256xf32>
    %get3A_4 = arith.constant 0 : index
    %get3A_5 = arith.constant 0 : index
    %get3A_6 = arith.constant 0 : index
    %get3A_7 = vector.load %arg1[%get3A_4, %get3A_5, %get3A_6] : memref<32x256x16xf32, #tpu.memory_space<vmem>>, vector<32x256x16xf32>
    %reduce_sum3A_8 = arith.constant dense<0.000000e+00> : vector<256x16xf32>
    %reduce_sum3A_9 = vector.multi_reduction <add>, %get3A_7, %reduce_sum3A_8 [0] : vector<32x256x16xf32> to vector<256x16xf32>
    %slice3A = vector.extract_strided_slice %reduce_sum3A_9 {offsets = [0, 0], sizes = [256, 1], strides = [1, 1]} : vector<256x16xf32> to vector<256x1xf32>
    %get3A_10 = arith.constant 0 : index
    %get3A_11 = arith.constant 0 : index
    %get3A_12 = vector.load %arg2[%get3A_10, %get3A_11] : memref<48x256xf32, #tpu.memory_space<vmem>>, vector<48x256xf32>
    %get3A_13 = arith.constant 0 : index
    %get3A_14 = arith.constant 0 : index
    %get3A_15 = vector.load %arg5[%get3A_13, %get3A_14] : memref<256x1xf32, #tpu.memory_space<vmem>>, vector<256x1xf32>
    %dot_general3A = arith.constant dense<0.000000e+00> : vector<48x1xf32>
    %dot_general3A_16 = tpu.matmul %get3A_12, %get3A_15, %dot_general3A {dimension_numbers = #tpu.dot_dimension_numbers<[1], [0], [0], [1], [0, 0, 1, 1], [], []>, transpose_lhs_hint = false} : vector<48x256xf32>, vector<256x1xf32>, vector<48x1xf32> -> vector<48x1xf32>
    %exp3A = math.exp %dot_general3A_16 : vector<48x1xf32>
    %iota3A = tpu.iota {dimensions = array<i32: 1>} : vector<48x256xi32>
    %get3A_17 = arith.constant 0 : index
    %get3A_18 = arith.constant 0 : index
    %get3A_19 = vector.load %arg3[%get3A_17, %get3A_18] : memref<48x256xi32, #tpu.memory_space<vmem>>, vector<48x256xi32>
    %eq3A = arith.cmpi eq, %get3A_19, %iota3A : vector<48x256xi32>
    %convert_element_type3A = arith.extui %eq3A : vector<48x256xi1> to vector<48x256xi32>
    %convert_element_type3A_20 = arith.sitofp %convert_element_type3A : vector<48x256xi32> to vector<48x256xf32>
    %mul3A = vector.broadcast %exp3A : vector<48x1xf32> to vector<48x256xf32>
    %mul3A_21 = arith.mulf %mul3A, %get3A_12 : vector<48x256xf32>
    %dot_general3A_22 = arith.constant dense<0.000000e+00> : vector<256x256xf32>
    %dot_general3A_23 = tpu.matmul %convert_element_type3A_20, %mul3A_21, %dot_general3A_22 {dimension_numbers = #tpu.dot_dimension_numbers<[0], [0], [1], [1], [0, 1, 1, 1], [], []>, transpose_lhs_hint = false} : vector<48x256xf32>, vector<48x256xf32>, vector<256x256xf32> -> vector<256x256xf32>
    %add3A = arith.addf %reduce_sum3A_3, %dot_general3A_23 : vector<256x256xf32>
    %dot_general3A_24 = arith.constant dense<0.000000e+00> : vector<256x1xf32>
    %dot_general3A_25 = tpu.matmul %convert_element_type3A_20, %exp3A, %dot_general3A_24 {dimension_numbers = #tpu.dot_dimension_numbers<[0], [0], [1], [1], [0, 1, 1, 1], [], []>, transpose_lhs_hint = false} : vector<48x256xf32>, vector<48x1xf32>, vector<256x1xf32> -> vector<256x1xf32>
    %add3A_26 = arith.addf %slice3A, %dot_general3A_25 : vector<256x1xf32>
    %get3A_27 = arith.constant 0 : index
    %get3A_28 = arith.constant 0 : index
    %get3A_29 = vector.load %arg6[%get3A_27, %get3A_28] : memref<1x1xf32, #tpu.memory_space<vmem>>, vector<1x1xf32>
    %get3A_30 = vector.extract %get3A_29[0, 0] : f32 from vector<1x1xf32>
    %exp3A_31 = math.exp %get3A_30 : f32
    %mul3A_32 = vector.broadcast %exp3A_31 : f32 to vector<256x1xf32>
    %mul3A_33 = arith.mulf %add3A_26, %mul3A_32 : vector<256x1xf32>
    %add3A_34 = arith.constant 1.000000e-16 : f32
    %add3A_35 = vector.broadcast %add3A_34 : f32 to vector<256x1xf32>
    %add3A_36 = arith.addf %mul3A_33, %add3A_35 : vector<256x1xf32>
    %div3A = vector.broadcast %exp3A_31 : f32 to vector<256x1xf32>
    %div3A_37 = arith.divf %div3A, %add3A_36 : vector<256x1xf32>
    %mul3A_38 = vector.broadcast %div3A_37 : vector<256x1xf32> to vector<256x256xf32>
    %mul3A_39 = arith.mulf %add3A, %mul3A_38 : vector<256x256xf32>
    %add3A_40 = arith.constant 1.000000e-16 : f32
    %add3A_41 = vector.broadcast %add3A_40 : f32 to vector<256x1xf32>
    %add3A_42 = arith.addf %mul3A_33, %add3A_41 : vector<256x1xf32>
    %div3A_43 = arith.divf %mul3A_33, %add3A_42 : vector<256x1xf32>
    %get3A_44 = arith.constant 0 : index
    %get3A_45 = arith.constant 0 : index
    %get3A_46 = vector.load %arg7[%get3A_44, %get3A_45] : memref<256x256xf32, #tpu.memory_space<vmem>>, vector<256x256xf32>
    %dot_general3A_47 = arith.constant dense<0.000000e+00> : vector<256x256xf32>
    %dot_general3A_48 = tpu.matmul %mul3A_39, %get3A_46, %dot_general3A_47 {dimension_numbers = #tpu.dot_dimension_numbers<[1], [0], [0], [1], [0, 0, 1, 1], [], []>, transpose_lhs_hint = false} : vector<256x256xf32>, vector<256x256xf32>, vector<256x256xf32> -> vector<256x256xf32>
    %get3A_49 = arith.constant 0 : index
    %get3A_50 = arith.constant 0 : index
    %get3A_51 = vector.load %arg8[%get3A_49, %get3A_50] : memref<1x256xf32, #tpu.memory_space<vmem>>, vector<1x256xf32>
    %mul3A_52 = vector.broadcast %div3A_43 : vector<256x1xf32> to vector<256x256xf32>
    %mul3A_53 = vector.broadcast %get3A_51 : vector<1x256xf32> to vector<256x256xf32>
    %mul3A_54 = arith.mulf %mul3A_52, %mul3A_53 : vector<256x256xf32>
    %add3A_55 = arith.addf %dot_general3A_48, %mul3A_54 : vector<256x256xf32>
    %get3A_56 = arith.constant 0 : index
    %get3A_57 = arith.constant 0 : index
    %get3A_58 = vector.load %arg9[%get3A_56, %get3A_57] : memref<256x256xf32, #tpu.memory_space<vmem>>, vector<256x256xf32>
    %dot_general3A_59 = arith.constant dense<0.000000e+00> : vector<256x256xf32>
    %dot_general3A_60 = tpu.matmul %add3A_55, %get3A_58, %dot_general3A_59 {dimension_numbers = #tpu.dot_dimension_numbers<[1], [0], [0], [1], [0, 0, 1, 1], [], []>, transpose_lhs_hint = false} : vector<256x256xf32>, vector<256x256xf32>, vector<256x256xf32> -> vector<256x256xf32>
    %get3A_61 = arith.constant 0 : index
    %get3A_62 = arith.constant 0 : index
    %get3A_63 = vector.load %arg4[%get3A_61, %get3A_62] : memref<256x256xf32, #tpu.memory_space<vmem>>, vector<256x256xf32>
    %get3A_64 = arith.constant 0 : index
    %get3A_65 = arith.constant 0 : index
    %get3A_66 = vector.load %arg10[%get3A_64, %get3A_65] : memref<256x256xf32, #tpu.memory_space<vmem>>, vector<256x256xf32>
    %dot_general3A_67 = arith.constant dense<0.000000e+00> : vector<256x256xf32>
    %dot_general3A_68 = tpu.matmul %get3A_63, %get3A_66, %dot_general3A_67 {dimension_numbers = #tpu.dot_dimension_numbers<[1], [0], [0], [1], [0, 0, 1, 1], [], []>, transpose_lhs_hint = false} : vector<256x256xf32>, vector<256x256xf32>, vector<256x256xf32> -> vector<256x256xf32>
    %add3A_69 = arith.addf %dot_general3A_60, %dot_general3A_68 : vector<256x256xf32>
    %get3A_70 = arith.constant 0 : index
    %get3A_71 = arith.constant 0 : index
    %get3A_72 = vector.load %arg11[%get3A_70, %get3A_71] : memref<1x256xf32, #tpu.memory_space<vmem>>, vector<1x256xf32>
    %add3A_73 = vector.broadcast %get3A_72 : vector<1x256xf32> to vector<256x256xf32>
    %add3A_74 = arith.addf %add3A_69, %add3A_73 : vector<256x256xf32>
    %get3A_75 = arith.constant 0 : index
    %get3A_76 = arith.constant 0 : index
    %get3A_77 = vector.load %arg4[%get3A_75, %get3A_76] : memref<256x256xf32, #tpu.memory_space<vmem>>, vector<256x256xf32>
    %max3A = arith.constant 0.000000e+00 : f32
    %max3A_78 = vector.broadcast %max3A : f32 to vector<256x256xf32>
    %max3A_79 = arith.maximumf %add3A_74, %max3A_78 : vector<256x256xf32>
    %add3A_80 = arith.addf %get3A_77, %max3A_79 : vector<256x256xf32>
    %swap3A = arith.constant 0 : index
    %swap3A_81 = arith.constant 0 : index
    %swap3A_82 = vector.load %arg12[%swap3A, %swap3A_81] : memref<256x256xf32, #tpu.memory_space<vmem>>, vector<256x256xf32>
    tpu.vector_store %arg12[%swap3A, %swap3A_81], %add3A_80 {strides = array<i32>} : memref<256x256xf32, #tpu.memory_space<vmem>>, vector<256x256xf32>,
    return
  }
}

</mosaic_0001>

<sc_bundles>
// kernel: kernel.4.cloned.1.call-start
scs
__scs_entry_jumppad:
0x0: {  	(pc) =	sbr.rel $0x88, $3  }
0x1: {  	(tag) =	ssettag $0x0;
	lr =	simm.s32 $0x1  }
0x2: {  	[smem:$0x3F98] =	sst lr;
	_ =	strace $0xD0000000  }
0x3: {  	_ = 	snop  }
0x4: {  	_ = 	snop  }
0x5: {  	_ = 	snop  }
0x6: {  	_ = 	snop  }
0x7: {  	_ = 	snop  }
__scs_overlays_trampoline_lowered:
0x8: {  	[smem:$0x3FA7] =	sst s0  }
0x9: {  	[smem:$0x3FA8] =	sst s1  }
0xa: {  	[smem:$0x3FA9] =	sst s2  }
0xb: {  	[smem:$0x3FAA] =	sst s3  }
0xc: {  	[smem:$0x3FAB] =	sst s4  }
0xd: {  	[smem:$0x3FAC] =	sst s5  }
0xe: {  	[smem:$0x3FAD] =	sst s6  }
0xf: {  	[smem:$0x3FAE] =	sst s7  }
0x10: {  	[smem:$0x3FAF] =	sst s8  }
0x11: {  	[smem:$0x3FB0] =	sst s9;
	s0 =	simm.s32 @!p0 $0x0  }
0x12: {  	s1 =	sld [smem:$0x3F96];
	s0 =	simm.s32 @p0 $0x1  }
0x13: {  	[smem:$0x3FB1] =	sst s0;
	s0 =	simm.s32 @!p1 $0x0  }
0x14: {  	s2 =	sld [smem:$0x3F95];
	s0 =	simm.s32 @p1 $0x1  }
0x15: {  	[smem:$0x3FB2] =	sst s0;
	s0 =	simm.s32 @!p2 $0x0  }
0x16: {  	s3 =	sld [smem:$0x3FDB];
	s0 =	simm.s32 @p2 $0x1  }
0x17: {  	s4 =	simm.s32 $0x1BF5;
	[smem:$0x3FB4] =	sst s0  }
0x18: {  	s0 =	sld [smem:$0x3F97];
	_ =	swait.ge [sflag:s4], $0x0  }
0x19: {  	s7 =	sld [smem:$0x3F98]  }
0x1a: {  	s8 =	sadd.s32 $0xFFFFE003, lr  }
0x1b: {  	s9 =	sadd.s32 $0xFFFFFEF7, lr;
	s5 =	simm.s32 $0xFFFFFFFF;
	p2 =	slt.u32 s8, $0xFFFFF086  }
0x1c: {  	p1 =	slt.u32 s9, $0xF7A;
	s5 =	simm.s32 @!p2 $0x0  }
0x1d: {  	s5 =	simm.s32 @p1 $0x1;
	p0 =	seq.s32 s7, s2  }
0x1e: {  	s7 =	smul.u32 @!p0 $0xF7A, s2;
	p2 =	seq.s32 @!p0 s5, $0x0  }
0x1f: {  	s9 =	smul.u32 $0xF7A, s1;
	s8 =	simm.s32 @!p0 $0x1BF5;
	p2 =	por !p2, p0  }
0x20: {  	[sflag:s8] =	ssyncset.s32 @!p0 $0xFFFFF086;
	s6 =	sadd.s32 @!p0 s3, s7;
	s7 =	simm.s32 @!p0 $0x108  }
0x21: {  	s3 =	sadd.s32 s3, s9;
	s6 =	sadd.s32 @!p0 $0x88, s6;
	s7 =	simm.s32 @p2 $0x1082  }
0x22: {  	[simem:s7], [sflag:s8] =	dma.local @!p0 [hbm:s6], $0xF7A  }
0x23: {  	s9 =	sor.u32 $0xD0000000, s2;
	s6 =	simm.s32 $0x108;
	_ =	swait.ge @!p0 [sflag:s8], $0x0  }
0x24: {  	s3 =	sadd.s32 $0x88, s3;
	s6 =	simm.s32 @!p1 $0x1082;
	[sflag:s4] =	ssyncset.s32 $0xFFFFF086  }
0x25: {  	[simem:s6], [sflag:s4] =	dma.local [hbm:s3], $0xF7A  }
0x26: {  	[smem:$0x3F98] =	sst s1;
	(tag) =	ssettag s2;
	_ =	strace s9  }
0x27: {  	s1 =	sld [smem:$0x3FA8]  }
0x28: {  	s2 =	sld [smem:$0x3FA9]  }
0x29: {  	s4 =	sld [smem:$0x3FAB]  }
0x2a: {  	p0 =	seq.s32 s5, $0x0;
	s5 =	sld [smem:$0x3FAC]  }
0x2b: {  	s6 =	sld [smem:$0x3FAD]  }
0x2c: {  	s7 =	sld [smem:$0x3FAE]  }
0x2d: {  	s3 =	simm.s32 $0x108;
	s8 =	sld [smem:$0x3FAF]  }
0x2e: {  	s3 =	simm.s32 @!p0 $0x1082;
	s9 =	sld [smem:$0x3FB0]  }
0x2f: {  	lr =	sadd.s32 s0, s3;
	s0 =	sld [smem:$0x3FA7]  }
0x30: {  	s3 =	sld [smem:$0x3FAA]  }
0x31: {  	[smem:$0x3FB3] =	sst s10  }
0x32: {  	s10 =	sld [smem:$0x3FB1];
	_ =	sdelay $0x3  }
0x33: {  	p0 =	seq.s32 s10, $0x1;
	s10 =	sld [smem:$0x3FB3];
	_ =	sdelay $0x3  }
0x34: {  	[smem:$0x3FB3] =	sst s10  }
0x35: {  	s10 =	sld [smem:$0x3FB2];
	_ =	sdelay $0x3  }
0x36: {  	p1 =	seq.s32 s10, $0x1;
	s10 =	sld [smem:$0x3FB3];
	_ =	sdelay $0x3  }
0x37: {  	[smem:$0x3FB3] =	sst s10  }
0x38: {  	s10 =	sld [smem:$0x3FB4]  }
0x39: {  	_ = 	snop;
	(pc) =	sbr.ind lr, $3  }
0x3a: {  	_ = 	snop  }
0x3b: {  	_ = 	snop  }
0x3c: {  	p2 =	seq.s32 s10, $0x1;
	s10 =	sld [smem:$0x3FB3]  }
0x3d: {  	_ =	shalt  }
0x3e: {  	_ =	shalt  }
0x3f: {  	_ =	shalt  }
0x40: {  	_ =	shalt  }
0x41: {  	_ =	shalt  }
0x42: {  	_ =	shalt  }
0x43: {  	_ =	shalt  }
0x44: {  	_ =	shalt  }
0x45: {  	_ =	shalt  }
0x46: {  	_ =	shalt  }
0x47: {  	_ =	shalt  }
0x48: {  	_ =	shalt  }
0x49: {  	_ =	shalt  }
0x4a: {  	_ =	shalt  }
0x4b: {  	_ =	shalt  }
0x4c: {  	_ =	shalt  }
0x4d: {  	_ =	shalt  }
0x4e: {  	_ =	shalt  }
0x4f: {  	_ =	shalt  }
0x50: {  	_ =	shalt  }
0x51: {  	_ =	shalt  }
0x52: {  	_ =	shalt  }
0x53: {  	_ =	shalt  }
0x54: {  	_ =	shalt  }
0x55: {  	_ =	shalt  }
0x56: {  	_ =	shalt  }
0x57: {  	_ =	shalt  }
0x58: {  	_ =	shalt  }
0x59: {  	_ =	shalt  }
0x5a: {  	_ =	shalt  }
0x5b: {  	_ =	shalt  }
0x5c: {  	_ =	shalt  }
0x5d: {  	_ =	shalt  }
0x5e: {  	_ =	shalt  }
0x5f: {  	_ =	shalt  }
0x60: {  	_ =	shalt  }
0x61: {  	_ =	shalt  }
0x62: {  	_ =	shalt  }
0x63: {  	_ =	shalt  }
0x64: {  	_ =	shalt  }
0x65: {  	_ =	shalt  }
0x66: {  	_ =	shalt  }
0x67: {  	_ =	shalt  }
0x68: {  	_ =	shalt  }
0x69: {  	_ =	shalt  }
0x6a: {  	_ =	shalt  }
0x6b: {  	_ =	shalt  }
0x6c: {  	_ =	shalt  }
0x6d: {  	_ =	shalt  }
0x6e: {  	_ =	shalt  }
0x6f: {  	_ =	shalt  }
0x70: {  	_ =	shalt  }
0x71: {  	_ =	shalt  }
0x72: {  	_ =	shalt  }
0x73: {  	_ =	shalt  }
0x74: {  	_ =	shalt  }
0x75: {  	_ =	shalt  }
0x76: {  	_ =	shalt  }
0x77: {  	_ =	shalt  }
0x78: {  	_ =	shalt  }
0x79: {  	_ =	shalt  }
0x7a: {  	_ =	shalt  }
0x7b: {  	_ =	shalt  }
0x7c: {  	_ =	shalt  }
0x7d: {  	_ =	shalt  }
0x7e: {  	_ =	shalt  }
0x7f: {  	_ =	shalt  }
0x80: {  	_ =	shalt  }
0x81: {  	_ =	shalt  }
0x82: {  	_ =	shalt  }
0x83: {  	_ =	shalt  }
0x84: {  	_ =	shalt  }
0x85: {  	_ =	shalt  }
0x86: {  	_ =	shalt  }
0x87: {  	_ =	shalt  }
.Lfunc_end0:
.L_simem_size_0:
called_computation_lowered:
.L_overlay_start_0:
0x88: {  	s2 =	sld [smem:$0x3FD9]  }
0x89: {  	s3 =	sld [smem:$0x3FFE];
	_ =	sdelay $0x1  }
0x8a: {  	s1 =	srdreg.scid  }
0x8b: {  	s0 =	sand.u32 $0x1, s1  }
0x8c: {  	s17 =	sshll.u32 s0, $0xA;
	s2 =	sadd.s32 s3, s2  }
0x8d: {  	s2 =	sadd.s32 s2, s17  }
0x8e: {  	[smem:$0x3FBF] =	sst s2  }
0x8f: {  	_ = 	snop  }
0x90: {  	s2 =	sld [smem:$0x3FC9]  }
0x91: {  	s18 =	sld [smem:$0x3FC7]  }
0x92: {  	s4 =	sld [smem:$0x3FC6];
	(tm) =	ssettm $0x1  }
0x93: {  	s5 =	sld [smem:$0x3FFB];
	_ =	sdelay $0x3  }
0x94: {  	_ =	strace s5  }
0x95: {  	s5 =	sld [smem:$0x3FFC];
	_ =	sdelay $0x3  }
0x96: {  	_ =	strace s5  }
0x97: {  	s5 =	sld [smem:$0x3FFD];
	_ =	sdelay $0x3  }
0x98: {  	_ =	strace s5  }
0x99: {  	_ =	strace $0x8FFFFFFF  }
0x9a: {  	s19 =	sld [smem:$0x3FDB];
	_ =	sdelay $0x1  }
0x9b: {  	s6 =	simm.s32 $_scs_section_size  }
0x9c: {  	s7 =	simm.s32 $_size__tile_overlayer_lowered;
	s8 =	simm.s32 $_tile_overlayer_lowered  }
0x9d: {  	s22 =	simm.s32 $0x1BFF;
	s21 =	sshll.u32 s8, $0x1;
	s5 =	sadd.s32 s6, s19  }
0x9e: {  	s9 =	simm.s32 $0x0;
	s20 =	sshll.u32 s7, $0x1;
	s7 =	sadd.s32 s21, s5  }
0x9f: {  	[timem:s9], [sflag:s22] =	dma.local [hbm:s7], s20  }
0xa0: {  	_ =	swait.ge [sflag:s22], s20  }
0xa1: {  	s6 =	ssub.s32 $0x0, s20;
	[sflag:s22] =	ssyncset.done $0x0  }
0xa2: {  	[sflag:s22] =	ssyncadd.s32 s6;
	_ =	sdelay $0x1  }
0xa3: {  	s23 =	simm.s32 $0x1B8B  }
0xa4: {  	_ =	swait.ge [sflag:s23], $0x1  }
0xa5: {  	[sflag:s23] =	ssyncset.done $0x0  }
0xa6: {  	s25 =	simm.s32 $0x1B8E;
	s24 =	sld [smem:$0x3FFE];
	[sflag:s23] =	ssyncadd.s32 $0xFFFFFFFF  }
0xa7: {  	s26 =	simm.s32 $execute0_lowered;
	[smem:$0x3FD2] =	sst s25  }
0xa8: {  	s7 =	sshll.u32 s26, $0x1;
	_ =	strace $0x80000046;
	[dreg:$0x1] =	wrdreg $0xFFFFFFFF  }
0xa9: {  	s28 =	simm.s32 $_size_execute0_lowered;
	s5 =	sadd.s32 s5, s7;
	[dreg:$0x0] =	wrdreg $0x0  }
0xaa: {  	s7 =	sshll.u32 s28, $0x1;
	[dreg:$0x2] =	wrdreg s5  }
0xab: {  	[dreg:$0x3] =	wrdreg s7  }
0xac: {  	[dreg:$0x4] =	wrdreg $0xC0  }
0xad: {  	_ =	task [dreg:s9], $0x5FFFF  }
0xae: {  	[dreg:$0x1] =	wrdreg $0xFFFFFFFF  }
0xaf: {  	[dreg:$0x0] =	wrdreg $0x60  }
0xb0: {  	[dreg:$0x2] =	wrdreg s2  }
0xb1: {  	[dreg:$0x3] =	wrdreg s18  }
0xb2: {  	[dreg:$0x4] =	wrdreg s4  }
0xb3: {  	[dreg:$0x5] =	wrdreg s24  }
0xb4: {  	[dreg:$0x6] =	wrdreg $0x9  }
0xb5: {  	_ =	task.clear_ibuf [dreg:s9], $0x7FFFF;
	_ =	strace $0x90000046  }
0xb6: {  	s29 =	simm.s32 $0x9;
	_ =	strace $0x80000048  }
0xb7: {  	_ =	swait.ge [sflag:s29], $0x1  }
0xb8: {  	[sflag:s29] =	ssyncadd.s32 $0xFFFFFFFF  }
0xb9: {  	_ =	strace $0x90000048  }
0xba: {  	_ =	sfence  }
0xbb: {  	s30 =	sld [smem:$0x0];
	_ =	sdelay $0x2  }
0xbc: {  	s31 =	sshll.u32 s1, $0xD;
	s1 =	sshrl.u32 s1, $0x2  }
0xbd: {  	s3 =	sand.u32 $0x4000, s31;
	s1 =	sadd.s32 s1, s30  }
0xbe: {  	s0 =	sor.u32 s3, s0;
	s1 =	sshll.u32 s1, $0x11  }
0xbf: {  	s0 =	sor.u32 s1, s0  }
0xc0: {  	s0 =	sadd.s32 $0x8F2B, s0  }
0xc1: {  	[sflag:s0] =	ssyncadd.remote.s32 $0x1  }
0xc2: {  	_ =	sfence.sel $0xFFFF  }
0xc3: {  	[dreg:$0x0] =	wrdreg $0xFFFFFFFF;
	(pc) =	sbr.abs _section_cstart, $3  }
0xc4: {  	[dreg:$0x1] =	wrdreg $0xFFFFFFFF  }
0xc5: {  	_ =	task.clear_ibuf [dreg:s9], $0x2FFFF;
	_ =	strace $0x9FFFFFFF  }
0xc6: {  	(tm) =	ssettm $0x7FFFFFFF  }
0xc7: {  	_ =	shalt  }
tec
execute0_lowered:
.L_overlay_start_1:
0x0: {  	(tag) =	ssettag $0x1  }
0x1: {  	s1 =	rddreg [dreg:$0x0]  }
0x2: {  	s2 =	rddreg [dreg:$0x1]  }
0x3: {  	s4 =	rddreg [dreg:$0x2]  }
0x4: {  	s7 =	rddreg [dreg:$0x3]  }
0x5: {  	s6 =	srdreg.scid;
	s3 =	stileid.u32  }
0x6: {  	s5 =	simm.s32 $0x0;
	s14 =	simm.s32 $0x7000;
	s15 =	simm.s32 $0x7200  }
0x7: {  	s16 =	simm.s32 $0x17200;
	s8 =	sand.u32 $0x1, s6;
	s30 =	sshll.u32 s3, $0x1  }
0x8: {  	s17 =	simm.s32 $0x0;
	[smem:$0x7FF] =	sst s5;
	s6 =	sor.u32 s8, s30  }
0x9: {  	_ =	strace $0x80000047;
	s8 =	ssub.s32 $0x2, s8;
	s10 =	smul.u32 $0x700, s6  }
.Ltmp0:
0xa: {  	s9 =	sshll.u32 s6, $0xD;
	s11 =	sshll.u32 s6, $0xC;
	(pc) =	sbr.rel .LBB2_1-.Ltmp0, $4  }
0xb: {  	s12 =	smul.u32 $0x7, s6;
	s31 =	sshrl.u32 s8, $0x1;
	s9 =	sadd.s32 s9, s7  }
0xc: {  	s11 =	sadd.s32 s11, s7;
	s13 =	ssub.s32 s8, s31;
	s7 =	sadd.s32 s1, s10  }
0xd: {  	s8 =	sadd.s32 s2, s12;
	s9 =	sadd.s32 $0x1A00, s9;
	s10 =	sadd.s32 $0x41A00, s11  }
0xe: {  	v0 =	vimm.f32 $0.0e+00;
	s11 =	smax.u32 s13, $0x1;
	s12 =	simm.s32 $0x7100;
	s13 =	simm.s32 $0x5  }
.LBB2_17:
0xf: {  	[hbm4b:s9+s5] =	stream.linear.scatter [tilespmem:s15], [sflag:$0x5], $0x10000, $0x38;
	[tilespmem:$0x1F200] =	vst v63  }
0x10: {  	s17 =	sadd.s32 $0x1, s17;
	_ =	swait.ge [sflag:s13], $0x10000  }
0x11: {  	p0 =	sne.s32 s17, s11;
	[sflag:s13] =	ssyncset.done $0x0  }
.Ltmp1:
0x12: {  	[sflag:s13] =	ssyncadd.s32 $0xFFFF0000;
	(pc) =	sbr.rel @!p0 .LBB2_18-.Ltmp1, $4  }
0x13: {  	[hbm4b:s10+s5] =	stream.linear.scatter [tilespmem:s16], [sflag:$0x5], $0x8000, $0x38;
	[tilespmem:$0x1F200] =	vst v63  }
0x14: {  	_ =	swait.ge [sflag:s13], $0x8000  }
0x15: {  	[sflag:s13] =	ssyncset.done $0x0  }
0x16: {  	v0 =	vimm.f32 $0.0e+00;
	[sflag:s13] =	ssyncadd.s32 $0xFFFF8000  }
.LBB2_1:
0x17: {  	[tilespmem:s12], [sflag:$0x5] =	stream.linear.gather [hbm4b:s4+s5], $0x100, $0x38;
	[tilespmem:$0x1F200] =	vst v63  }
0x18: {  	_ =	swait.ge [sflag:s13], $0x100  }
0x19: {  	[sflag:s13] =	ssyncset.done $0x0  }
0x1a: {  	s18 =	simm.s32 $0x7600;
	[sflag:s13] =	ssyncadd.s32 $0xFFFFFF00  }
0x1b: {  	[tilespmem:s18+$0xFFFFFC00] =	vst v0  }
0x1c: {  	[tilespmem:s18+$0x70] =	vst v0  }
0x1d: {  	[tilespmem:s18+$0x3F0] =	vst v0  }
0x1e: {  	[tilespmem:s18+$0x3E0] =	vst v0  }
0x1f: {  	[tilespmem:s18+$0x3D0] =	vst v0  }
0x20: {  	[tilespmem:s18+$0x3C0] =	vst v0  }
0x21: {  	[tilespmem:s18+$0x3B0] =	vst v0  }
0x22: {  	[tilespmem:s18+$0x3A0] =	vst v0  }
0x23: {  	[tilespmem:s18+$0x390] =	vst v0  }
0x24: {  	[tilespmem:s18+$0x380] =	vst v0  }
0x25: {  	[tilespmem:s18+$0xFFFFFFF0] =	vst v0  }
0x26: {  	[tilespmem:s18+$0xFFFFFFE0] =	vst v0  }
0x27: {  	[tilespmem:s18+$0xFFFFFFD0] =	vst v0  }
0x28: {  	[tilespmem:s18+$0xFFFFFFC0] =	vst v0  }
0x29: {  	[tilespmem:s18+$0xFFFFFFB0] =	vst v0  }
0x2a: {  	[tilespmem:s18+$0xFFFFFFA0] =	vst v0  }
0x2b: {  	[tilespmem:s18+$0xFFFFFF90] =	vst v0  }
0x2c: {  	[tilespmem:s18+$0xFFFFFF80] =	vst v0  }
0x2d: {  	[tilespmem:s18+$0x2F0] =	vst v0  }
0x2e: {  	[tilespmem:s18+$0x370] =	vst v0  }
0x2f: {  	[tilespmem:s18+$0x360] =	vst v0  }
0x30: {  	[tilespmem:s18+$0x350] =	vst v0  }
0x31: {  	[tilespmem:s18+$0x340] =	vst v0  }
0x32: {  	[tilespmem:s18+$0x330] =	vst v0  }
0x33: {  	[tilespmem:s18+$0x320] =	vst v0  }
0x34: {  	[tilespmem:s18+$0x310] =	vst v0  }
0x35: {  	[tilespmem:s18+$0x300] =	vst v0  }
0x36: {  	[tilespmem:s18+$0xFFFFFF70] =	vst v0  }
0x37: {  	[tilespmem:s18+$0xFFFFFF60] =	vst v0  }
0x38: {  	[tilespmem:s18+$0xFFFFFF50] =	vst v0  }
0x39: {  	[tilespmem:s18+$0xFFFFFF40] =	vst v0  }
0x3a: {  	[tilespmem:s18+$0xFFFFFF30] =	vst v0  }
0x3b: {  	[tilespmem:s18+$0xFFFFFF20] =	vst v0  }
0x3c: {  	[tilespmem:s18+$0xFFFFFF10] =	vst v0  }
0x3d: {  	[tilespmem:s18+$0xFFFFFF00] =	vst v0  }
0x3e: {  	[tilespmem:s18+$0x2E0] =	vst v0  }
0x3f: {  	[tilespmem:s18+$0x2D0] =	vst v0  }
0x40: {  	[tilespmem:s18+$0x2C0] =	vst v0  }
0x41: {  	[tilespmem:s18+$0x2B0] =	vst v0  }
0x42: {  	[tilespmem:s18+$0x2A0] =	vst v0  }
0x43: {  	[tilespmem:s18+$0x290] =	vst v0  }
0x44: {  	[tilespmem:s18+$0x280] =	vst v0  }
0x45: {  	[tilespmem:s18+$0xFFFFFEF0] =	vst v0  }
0x46: {  	[tilespmem:s18+$0xFFFFFEE0] =	vst v0  }
0x47: {  	[tilespmem:s18+$0xFFFFFED0] =	vst v0  }
0x48: {  	[tilespmem:s18+$0xFFFFFEC0] =	vst v0  }
0x49: {  	[tilespmem:s18+$0xFFFFFEB0] =	vst v0  }
0x4a: {  	[tilespmem:s18+$0xFFFFFEA0] =	vst v0  }
0x4b: {  	[tilespmem:s18+$0xFFFFFE90] =	vst v0  }
0x4c: {  	[tilespmem:s18+$0xFFFFFE80] =	vst v0  }
0x4d: {  	[tilespmem:s18+$0xF0] =	vst v0  }
0x4e: {  	[tilespmem:s18+$0x170] =	vst v0  }
0x4f: {  	[tilespmem:s18+$0x1F0] =	vst v0  }
0x50: {  	[tilespmem:s18+$0x270] =	vst v0  }
0x51: {  	[tilespmem:s18+$0x260] =	vst v0  }
0x52: {  	[tilespmem:s18+$0x250] =	vst v0  }
0x53: {  	[tilespmem:s18+$0x240] =	vst v0  }
0x54: {  	[tilespmem:s18+$0x230] =	vst v0  }
0x55: {  	[tilespmem:s18+$0x220] =	vst v0  }
0x56: {  	[tilespmem:s18+$0x210] =	vst v0  }
0x57: {  	[tilespmem:s18+$0x200] =	vst v0  }
0x58: {  	[tilespmem:s18+$0xFFFFFE70] =	vst v0  }
0x59: {  	[tilespmem:s18+$0xFFFFFE60] =	vst v0  }
0x5a: {  	[tilespmem:s18+$0xFFFFFE50] =	vst v0  }
0x5b: {  	[tilespmem:s18+$0xFFFFFE40] =	vst v0  }
0x5c: {  	[tilespmem:s18+$0xFFFFFE30] =	vst v0  }
0x5d: {  	[tilespmem:s18+$0xFFFFFE20] =	vst v0  }
0x5e: {  	[tilespmem:s18+$0xFFFFFE10] =	vst v0  }
0x5f: {  	[tilespmem:s18+$0xFFFFFE00] =	vst v0  }
0x60: {  	[tilespmem:s18+$0x1E0] =	vst v0  }
0x61: {  	[tilespmem:s18+$0x1D0] =	vst v0  }
0x62: {  	[tilespmem:s18+$0x1C0] =	vst v0  }
0x63: {  	[tilespmem:s18+$0x1B0] =	vst v0  }
0x64: {  	[tilespmem:s18+$0x1A0] =	vst v0  }
0x65: {  	[tilespmem:s18+$0x190] =	vst v0  }
0x66: {  	[tilespmem:s18+$0x180] =	vst v0  }
0x67: {  	[tilespmem:s18+$0xFFFFFDF0] =	vst v0  }
0x68: {  	[tilespmem:s18+$0xFFFFFDE0] =	vst v0  }
0x69: {  	[tilespmem:s18+$0xFFFFFDD0] =	vst v0  }
0x6a: {  	[tilespmem:s18+$0xFFFFFDC0] =	vst v0  }
0x6b: {  	[tilespmem:s18+$0xFFFFFDB0] =	vst v0  }
0x6c: {  	[tilespmem:s18+$0xFFFFFDA0] =	vst v0  }
0x6d: {  	[tilespmem:s18+$0xFFFFFD90] =	vst v0  }
0x6e: {  	[tilespmem:s18+$0xFFFFFD80] =	vst v0  }
0x6f: {  	[tilespmem:s18+$0x160] =	vst v0  }
0x70: {  	[tilespmem:s18+$0x150] =	vst v0  }
0x71: {  	[tilespmem:s18+$0x140] =	vst v0  }
0x72: {  	[tilespmem:s18+$0x130] =	vst v0  }
0x73: {  	[tilespmem:s18+$0x120] =	vst v0  }
0x74: {  	[tilespmem:s18+$0x110] =	vst v0  }
0x75: {  	[tilespmem:s18+$0x100] =	vst v0  }
0x76: {  	[tilespmem:s18+$0xFFFFFD70] =	vst v0  }
0x77: {  	[tilespmem:s18+$0xFFFFFD60] =	vst v0  }
0x78: {  	[tilespmem:s18+$0xFFFFFD50] =	vst v0  }
0x79: {  	[tilespmem:s18+$0xFFFFFD40] =	vst v0  }
0x7a: {  	[tilespmem:s18+$0xFFFFFD30] =	vst v0  }
0x7b: {  	[tilespmem:s18+$0xFFFFFD20] =	vst v0  }
0x7c: {  	[tilespmem:s18+$0xFFFFFD10] =	vst v0  }
0x7d: {  	[tilespmem:s18+$0xFFFFFD00] =	vst v0  }
0x7e: {  	[tilespmem:s18+$0xE0] =	vst v0  }
0x7f: {  	[tilespmem:s18+$0xD0] =	vst v0  }
0x80: {  	[tilespmem:s18+$0xC0] =	vst v0  }
0x81: {  	[tilespmem:s18+$0xB0] =	vst v0  }
0x82: {  	[tilespmem:s18+$0xA0] =	vst v0  }
0x83: {  	[tilespmem:s18+$0x90] =	vst v0  }
0x84: {  	[tilespmem:s18+$0x80] =	vst v0  }
0x85: {  	[tilespmem:s18+$0xFFFFFCF0] =	vst v0  }
0x86: {  	[tilespmem:s18+$0xFFFFFCE0] =	vst v0  }
0x87: {  	[tilespmem:s18+$0xFFFFFCD0] =	vst v0  }
0x88: {  	[tilespmem:s18+$0xFFFFFCC0] =	vst v0  }
0x89: {  	[tilespmem:s18+$0xFFFFFCB0] =	vst v0  }
0x8a: {  	[tilespmem:s18+$0xFFFFFCA0] =	vst v0  }
0x8b: {  	[tilespmem:s18+$0xFFFFFC90] =	vst v0  }
0x8c: {  	[tilespmem:s18+$0xFFFFFC80] =	vst v0  }
0x8d: {  	[tilespmem:s18+$0x60] =	vst v0  }
0x8e: {  	[tilespmem:s18+$0x50] =	vst v0  }
0x8f: {  	[tilespmem:s18+$0x40] =	vst v0  }
0x90: {  	[tilespmem:s18+$0x30] =	vst v0  }
0x91: {  	[tilespmem:s18+$0x20] =	vst v0  }
0x92: {  	[tilespmem:s18+$0x10] =	vst v0  }
0x93: {  	[tilespmem:s18+$0x0] =	vst v0  }
0x94: {  	[tilespmem:s18+$0xFFFFFC70] =	vst v0  }
0x95: {  	[tilespmem:s18+$0xFFFFFC60] =	vst v0  }
0x96: {  	[tilespmem:s18+$0xFFFFFC50] =	vst v0  }
0x97: {  	[tilespmem:s18+$0xFFFFFC40] =	vst v0  }
0x98: {  	[tilespmem:s18+$0xFFFFFC30] =	vst v0  }
0x99: {  	[tilespmem:s18+$0xFFFFFC20] =	vst v0  }
0x9a: {  	s19 =	simm.s32 $0x17400;
	[tilespmem:s18+$0xFFFFFC10] =	vst v0  }
0x9b: {  	[tilespmem:s19+$0x180] =	vst v0  }
0x9c: {  	[tilespmem:s19+$0x100] =	vst v0  }
0x9d: {  	[tilespmem:s19+$0x80] =	vst v0  }
0x9e: {  	[tilespmem:s19+$0x0] =	vst v0  }
0x9f: {  	[tilespmem:s19+$0xFFFFFF80] =	vst v0  }
0xa0: {  	[tilespmem:s19+$0xFFFFFF00] =	vst v0  }
0xa1: {  	s20 =	simm.s32 $0x0;
	[tilespmem:s19+$0xFFFFFE80] =	vst v0  }
.LBB2_2:
0xa2: {  	s20 =	sadd.s32 $0x8, s20;
	[tilespmem:s19+$0xFFFFFE00] =	vst v0;
	s18 =	sadd.s32 $0x800, s18;
	s19 =	sadd.s32 $0x400, s19  }
0xa3: {  	[tilespmem:s18+$0xFFFFFC00] =	vst v0;
	p0 =	slt.u32 s20, $0xF8  }
0xa4: {  	[tilespmem:s18+$0x70] =	vst v0  }
0xa5: {  	[tilespmem:s18+$0x3F0] =	vst v0  }
0xa6: {  	[tilespmem:s18+$0x3E0] =	vst v0  }
0xa7: {  	[tilespmem:s18+$0x3D0] =	vst v0  }
0xa8: {  	[tilespmem:s18+$0x3C0] =	vst v0  }
0xa9: {  	[tilespmem:s18+$0x3B0] =	vst v0  }
0xaa: {  	[tilespmem:s18+$0x3A0] =	vst v0  }
0xab: {  	[tilespmem:s18+$0x390] =	vst v0  }
0xac: {  	[tilespmem:s18+$0x380] =	vst v0  }
0xad: {  	[tilespmem:s18+$0xFFFFFFF0] =	vst v0  }
0xae: {  	[tilespmem:s18+$0xFFFFFFE0] =	vst v0  }
0xaf: {  	[tilespmem:s18+$0xFFFFFFD0] =	vst v0  }
0xb0: {  	[tilespmem:s18+$0xFFFFFFC0] =	vst v0  }
0xb1: {  	[tilespmem:s18+$0xFFFFFFB0] =	vst v0  }
0xb2: {  	[tilespmem:s18+$0xFFFFFFA0] =	vst v0  }
0xb3: {  	[tilespmem:s18+$0xFFFFFF90] =	vst v0  }
0xb4: {  	[tilespmem:s18+$0xFFFFFF80] =	vst v0  }
0xb5: {  	[tilespmem:s19+$0x180] =	vst v0  }
0xb6: {  	[tilespmem:s18+$0x2F0] =	vst v0  }
0xb7: {  	[tilespmem:s18+$0x370] =	vst v0  }
0xb8: {  	[tilespmem:s18+$0x360] =	vst v0  }
0xb9: {  	[tilespmem:s18+$0x350] =	vst v0  }
0xba: {  	[tilespmem:s18+$0x340] =	vst v0  }
0xbb: {  	[tilespmem:s18+$0x330] =	vst v0  }
0xbc: {  	[tilespmem:s18+$0x320] =	vst v0  }
0xbd: {  	[tilespmem:s18+$0x310] =	vst v0  }
0xbe: {  	[tilespmem:s18+$0x300] =	vst v0  }
0xbf: {  	[tilespmem:s18+$0xFFFFFF70] =	vst v0  }
0xc0: {  	[tilespmem:s18+$0xFFFFFF60] =	vst v0  }
0xc1: {  	[tilespmem:s18+$0xFFFFFF50] =	vst v0  }
0xc2: {  	[tilespmem:s18+$0xFFFFFF40] =	vst v0  }
0xc3: {  	[tilespmem:s18+$0xFFFFFF30] =	vst v0  }
0xc4: {  	[tilespmem:s18+$0xFFFFFF20] =	vst v0  }
0xc5: {  	[tilespmem:s18+$0xFFFFFF10] =	vst v0  }
0xc6: {  	[tilespmem:s18+$0xFFFFFF00] =	vst v0  }
0xc7: {  	[tilespmem:s19+$0x100] =	vst v0  }
0xc8: {  	[tilespmem:s18+$0x2E0] =	vst v0  }
0xc9: {  	[tilespmem:s18+$0x2D0] =	vst v0  }
0xca: {  	[tilespmem:s18+$0x2C0] =	vst v0  }
0xcb: {  	[tilespmem:s18+$0x2B0] =	vst v0  }
0xcc: {  	[tilespmem:s18+$0x2A0] =	vst v0  }
0xcd: {  	[tilespmem:s18+$0x290] =	vst v0  }
0xce: {  	[tilespmem:s18+$0x280] =	vst v0  }
0xcf: {  	[tilespmem:s18+$0xFFFFFEF0] =	vst v0  }
0xd0: {  	[tilespmem:s18+$0xFFFFFEE0] =	vst v0  }
0xd1: {  	[tilespmem:s18+$0xFFFFFED0] =	vst v0  }
0xd2: {  	[tilespmem:s18+$0xFFFFFEC0] =	vst v0  }
0xd3: {  	[tilespmem:s18+$0xFFFFFEB0] =	vst v0  }
0xd4: {  	[tilespmem:s18+$0xFFFFFEA0] =	vst v0  }
0xd5: {  	[tilespmem:s18+$0xFFFFFE90] =	vst v0  }
0xd6: {  	[tilespmem:s18+$0xFFFFFE80] =	vst v0  }
0xd7: {  	[tilespmem:s19+$0x80] =	vst v0  }
0xd8: {  	[tilespmem:s18+$0xF0] =	vst v0  }
0xd9: {  	[tilespmem:s18+$0x170] =	vst v0  }
0xda: {  	[tilespmem:s18+$0x1F0] =	vst v0  }
0xdb: {  	[tilespmem:s18+$0x270] =	vst v0  }
0xdc: {  	[tilespmem:s18+$0x260] =	vst v0  }
0xdd: {  	[tilespmem:s18+$0x250] =	vst v0  }
0xde: {  	[tilespmem:s18+$0x240] =	vst v0  }
0xdf: {  	[tilespmem:s18+$0x230] =	vst v0  }
0xe0: {  	[tilespmem:s18+$0x220] =	vst v0  }
0xe1: {  	[tilespmem:s18+$0x210] =	vst v0  }
0xe2: {  	[tilespmem:s18+$0x200] =	vst v0  }
0xe3: {  	[tilespmem:s18+$0xFFFFFE70] =	vst v0  }
0xe4: {  	[tilespmem:s18+$0xFFFFFE60] =	vst v0  }
0xe5: {  	[tilespmem:s18+$0xFFFFFE50] =	vst v0  }
0xe6: {  	[tilespmem:s18+$0xFFFFFE40] =	vst v0  }
0xe7: {  	[tilespmem:s18+$0xFFFFFE30] =	vst v0  }
0xe8: {  	[tilespmem:s18+$0xFFFFFE20] =	vst v0  }
0xe9: {  	[tilespmem:s18+$0xFFFFFE10] =	vst v0  }
0xea: {  	[tilespmem:s18+$0xFFFFFE00] =	vst v0  }
0xeb: {  	[tilespmem:s19+$0x0] =	vst v0  }
0xec: {  	[tilespmem:s18+$0x1E0] =	vst v0  }
0xed: {  	[tilespmem:s18+$0x1D0] =	vst v0  }
0xee: {  	[tilespmem:s18+$0x1C0] =	vst v0  }
0xef: {  	[tilespmem:s18+$0x1B0] =	vst v0  }
0xf0: {  	[tilespmem:s18+$0x1A0] =	vst v0  }
0xf1: {  	[tilespmem:s18+$0x190] =	vst v0  }
0xf2: {  	[tilespmem:s18+$0x180] =	vst v0  }
0xf3: {  	[tilespmem:s18+$0xFFFFFDF0] =	vst v0  }
0xf4: {  	[tilespmem:s18+$0xFFFFFDE0] =	vst v0  }
0xf5: {  	[tilespmem:s18+$0xFFFFFDD0] =	vst v0  }
0xf6: {  	[tilespmem:s18+$0xFFFFFDC0] =	vst v0  }
0xf7: {  	[tilespmem:s18+$0xFFFFFDB0] =	vst v0  }
0xf8: {  	[tilespmem:s18+$0xFFFFFDA0] =	vst v0  }
0xf9: {  	[tilespmem:s18+$0xFFFFFD90] =	vst v0  }
0xfa: {  	[tilespmem:s18+$0xFFFFFD80] =	vst v0  }
0xfb: {  	[tilespmem:s19+$0xFFFFFF80] =	vst v0  }
0xfc: {  	[tilespmem:s18+$0x160] =	vst v0  }
0xfd: {  	[tilespmem:s18+$0x150] =	vst v0  }
0xfe: {  	[tilespmem:s18+$0x140] =	vst v0  }
0xff: {  	[tilespmem:s18+$0x130] =	vst v0  }
0x100: {  	[tilespmem:s18+$0x120] =	vst v0  }
0x101: {  	[tilespmem:s18+$0x110] =	vst v0  }
0x102: {  	[tilespmem:s18+$0x100] =	vst v0  }
0x103: {  	[tilespmem:s18+$0xFFFFFD70] =	vst v0  }
0x104: {  	[tilespmem:s18+$0xFFFFFD60] =	vst v0  }
0x105: {  	[tilespmem:s18+$0xFFFFFD50] =	vst v0  }
0x106: {  	[tilespmem:s18+$0xFFFFFD40] =	vst v0  }
0x107: {  	[tilespmem:s18+$0xFFFFFD30] =	vst v0  }
0x108: {  	[tilespmem:s18+$0xFFFFFD20] =	vst v0  }
0x109: {  	[tilespmem:s18+$0xFFFFFD10] =	vst v0  }
0x10a: {  	[tilespmem:s18+$0xFFFFFD00] =	vst v0  }
0x10b: {  	[tilespmem:s19+$0xFFFFFF00] =	vst v0  }
0x10c: {  	[tilespmem:s18+$0xE0] =	vst v0  }
0x10d: {  	[tilespmem:s18+$0xD0] =	vst v0  }
0x10e: {  	[tilespmem:s18+$0xC0] =	vst v0  }
0x10f: {  	[tilespmem:s18+$0xB0] =	vst v0  }
0x110: {  	[tilespmem:s18+$0xA0] =	vst v0  }
0x111: {  	[tilespmem:s18+$0x90] =	vst v0  }
0x112: {  	[tilespmem:s18+$0x80] =	vst v0  }
0x113: {  	[tilespmem:s18+$0xFFFFFCF0] =	vst v0  }
0x114: {  	[tilespmem:s18+$0xFFFFFCE0] =	vst v0  }
0x115: {  	[tilespmem:s18+$0xFFFFFCD0] =	vst v0  }
0x116: {  	[tilespmem:s18+$0xFFFFFCC0] =	vst v0  }
0x117: {  	[tilespmem:s18+$0xFFFFFCB0] =	vst v0  }
0x118: {  	[tilespmem:s18+$0xFFFFFCA0] =	vst v0  }
0x119: {  	[tilespmem:s18+$0xFFFFFC90] =	vst v0  }
0x11a: {  	[tilespmem:s18+$0xFFFFFC80] =	vst v0  }
0x11b: {  	[tilespmem:s19+$0xFFFFFE80] =	vst v0  }
0x11c: {  	[tilespmem:s18+$0x60] =	vst v0  }
0x11d: {  	[tilespmem:s18+$0x50] =	vst v0  }
0x11e: {  	[tilespmem:s18+$0x40] =	vst v0  }
0x11f: {  	[tilespmem:s18+$0x30] =	vst v0  }
0x120: {  	[tilespmem:s18+$0x20] =	vst v0  }
0x121: {  	[tilespmem:s18+$0x10] =	vst v0  }
0x122: {  	[tilespmem:s18+$0x0] =	vst v0  }
0x123: {  	[tilespmem:s18+$0xFFFFFC70] =	vst v0  }
0x124: {  	[tilespmem:s18+$0xFFFFFC60] =	vst v0  }
.Ltmp2:
0x125: {  	[tilespmem:s18+$0xFFFFFC50] =	vst v0;
	(pc) =	sbr.rel @p0 .LBB2_2-.Ltmp2, $4  }
0x126: {  	[tilespmem:s18+$0xFFFFFC40] =	vst v0  }
0x127: {  	[tilespmem:s18+$0xFFFFFC30] =	vst v0  }
0x128: {  	[tilespmem:s18+$0xFFFFFC20] =	vst v0  }
0x129: {  	[tilespmem:s18+$0xFFFFFC10] =	vst v0  }
.Ltmp3:
0x12a: {  	(pc) =	sbr.rel .LBB2_4-.Ltmp3, $4  }
0x12b: {  	[tilespmem:s19+$0xFFFFFE00] =	vst v0;
	s18 =	simm.s32 $0x0  }
0x12c: {  	[tilespmem:s18], [sflag:$0x1] =	stream.linear.gather [hbm4b:s7+s18], $0x3800, $0x38;
	[tilespmem:$0x1F200] =	vst v63  }
0x12d: {  	_ = 	snop  }
0x12e: {  	[tilespmem:s14], [sflag:$0x3] =	stream.linear.gather [hbm4b:s8+s18], $0x38, $0x38;
	[tilespmem:$0x1F200] =	vst v63  }
.LBB2_16:
0x12f: {  	s18 =	sadd.s32 $0x1, s18  }
0x130: {  	p0 =	sne.s32 s18, $0x1C  }
.Ltmp4:
0x131: {  	_ = 	snop;
	(pc) =	sbr.rel @!p0 .LBB2_17-.Ltmp4, $1  }
0x132: {  	_ =	sdelay $0x3  }
.LBB2_4:
0x133: {  	s19 =	sshll.u32 s18, $0x5  }
0x134: {  	s19 =	sor.u32 s6, s19  }
0x135: {  	p0 =	sgt.u32 s19, $0x37B  }
.Ltmp5:
0x136: {  	_ = 	snop;
	(pc) =	sbr.rel @p0 .LBB2_16-.Ltmp5, $1  }
0x137: {  	_ =	sdelay $0x3  }
0x138: {  	s20 =	sand.u32 $0x1, s18  }
0x139: {  	s21 =	sadd.s32 $0x1, s20  }
0x13a: {  	_ =	swait.ge [sflag:s21], $0x3800  }
0x13b: {  	p0 =	sgt.u32 s19, $0x35B;
	[sflag:s21] =	ssyncset.done $0x0  }
0x13c: {  	s30 =	sadd.s32 $0x3, s20;
	s22 =	sxor.u32 @!p0 $0x1, s20;
	[sflag:s21] =	ssyncadd.s32 $0xFFFFC800  }
0x13d: {  	s19 =	sadd.s32 @!p0 $0x20, s19;
	s23 =	smul.u32 @!p0 $0xE000, s22;
	_ =	swait.ge [sflag:s30], $0x38  }
0x13e: {  	s31 =	sshll.u32 s20, $0x7;
	s24 =	smul.u32 @!p0 $0x700, s19;
	[sflag:s30] =	ssyncset.done $0x0  }
0x13f: {  	v0 =	vimm.s32 $0xFFFFFFFF;
	s26 =	simm.s32 @!p0 $0x0;
	s25 =	sadd.s32 @!p0 $0x1, s22;
	[sflag:s30] =	ssyncadd.s32 $0xFFFFFFC8  }
0x140: {  	s19 =	smul.u32 @!p0 $0x7, s19;
	s23 =	sshrl.u32 @!p0 s23, $0x2;
	s24 =	sadd.s32 @!p0 s1, s24;
	[tilespmem:s31+$0x7038] =	vst v0  }
0x141: {  	[tilespmem:s23], [sflag:s25] =	stream.linear.gather @!p0 [hbm4b:s24+s26], $0x3800, $0x38;
	[tilespmem:$0x1F200] =	vst v63  }
.Ltmp6:
0x142: {  	_ = 	snop;
	(pc) =	sbr.rel .LBB2_6-.Ltmp6, $4  }
0x143: {  	s20 =	smul.u32 $0xE000, s20;
	s23 =	sshll.u32 @!p0 s22, $0x7  }
0x144: {  	s19 =	sadd.s32 @!p0 s2, s19;
	s22 =	sadd.s32 @!p0 $0x3, s22;
	s23 =	sor.u32 @!p0 $0x7000, s23  }
0x145: {  	[tilespmem:s23], [sflag:s22] =	stream.linear.gather @!p0 [hbm4b:s19+s26], $0x38, $0x38;
	[tilespmem:$0x1F200] =	vst v63  }
0x146: {  	s20 =	sshrl.u32 s20, $0x2;
	s19 =	sor.u32 $0x7000, s31;
	s22 =	simm.s32 $0x0  }
.LBB2_15:
0x147: {  	s0 =	sshll.u32 s21, $0x8;
	s23 =	sshll.u32 s21, $0x7  }
0x148: {  	s0 =	sand.u32 $0xFFFFF800, s0;
	s23 =	sand.u32 $0x380, s23  }
0x149: {  	s0 =	sor.u32 s23, s0  }
0x14a: {  	v13 =	vld [tilespmem:s0+$0x7200]  }
0x14b: {  	v17 =	vld [tilespmem:s0+$0x7210]  }
0x14c: {  	v18 =	vld [tilespmem:s0+$0x7220]  }
0x14d: {  	v19 =	vld [tilespmem:s0+$0x7230]  }
0x14e: {  	v20 =	vld [tilespmem:s0+$0x7240]  }
0x14f: {  	v40 =	vld [tilespmem:s0+$0x7250];
	v0 =	vadd.f32 v13, v0  }
0x150: {  	v41 =	vld [tilespmem:s0+$0x7260];
	v4 =	vadd.f32 v17, v4  }
0x151: {  	v43 =	vld [tilespmem:s0+$0x7270];
	v42 =	vadd.f32 v18, v6;
	[tilespmem:s0+$0x7200] =	vst v0  }
0x152: {  	v44 =	vld [tilespmem:s0+$0x7600];
	v1 =	vadd.f32 v19, v1;
	[tilespmem:s0+$0x7210] =	vst v4  }
0x153: {  	v46 =	vld [tilespmem:s0+$0x7610];
	v45 =	vadd.f32 v20, v7;
	[tilespmem:s0+$0x7220] =	vst v42  }
0x154: {  	v48 =	vld [tilespmem:s0+$0x7620];
	v47 =	vadd.f32 v40, v33;
	[tilespmem:s0+$0x7230] =	vst v1  }
0x155: {  	v50 =	vld [tilespmem:s0+$0x7630];
	v49 =	vadd.f32 v41, v8;
	[tilespmem:s0+$0x7240] =	vst v45  }
0x156: {  	v52 =	vld [tilespmem:s0+$0x7640];
	v51 =	vadd.f32 v43, v9;
	[tilespmem:s0+$0x7250] =	vst v47  }
0x157: {  	v54 =	vld [tilespmem:s0+$0x7650];
	v53 =	vadd.f32 v44, v12;
	[tilespmem:s0+$0x7260] =	vst v49  }
0x158: {  	v56 =	vld [tilespmem:s0+$0x7660];
	v55 =	vadd.f32 v46, v11;
	[tilespmem:s0+$0x7270] =	vst v51  }
0x159: {  	v58 =	vld [tilespmem:s0+$0x7670];
	v57 =	vadd.f32 v48, v14;
	[tilespmem:s0+$0x7600] =	vst v53  }
0x15a: {  	v59 =	vadd.f32 v50, v10;
	[tilespmem:s0+$0x7610] =	vst v55  }
0x15b: {  	v60 =	vadd.f32 v52, v2;
	[tilespmem:s0+$0x7620] =	vst v57  }
0x15c: {  	v61 =	vadd.f32 v54, v3;
	[tilespmem:s0+$0x7630] =	vst v59  }
0x15d: {  	v62 =	vadd.f32 v56, v15;
	[tilespmem:s0+$0x7640] =	vst v60  }
0x15e: {  	v63 =	vadd.f32 v58, v16;
	[tilespmem:s0+$0x7650] =	vst v61  }
0x15f: {  	s30 =	sshll.u32 s21, $0x9;
	[tilespmem:s0+$0x7660] =	vst v62  }
0x160: {  	s31 =	sshra.s32 s30, $0x2;
	[tilespmem:s0+$0x7670] =	vst v63  }
0x161: {  	v0 =	vld [tilespmem:s31+$0x17200];
	_ =	sdelay $0x1  }
0x162: {  	p0 =	slt.s32 s22, $0x38  }
.Ltmp7:
0x163: {  	_ = 	snop;
	(pc) =	sbr.rel @!p0 .LBB2_16-.Ltmp7, $3  }
0x164: {  	_ = 	snop  }
0x165: {  	v0 =	vadd.f32 v0, v5;
	_ =	sdelay $0x1  }
0x166: {  	[tilespmem:s31+$0x17200] =	vst v0  }
.LBB2_6:
0x167: {  	s21 =	sand.u32 $0xFFFFFF80, s22  }
0x168: {  	s31 =	sand.u32 $0x7F, s22;
	s21 =	sadd.s32 s21, s19  }
0x169: {  	s21 =	sadd.s32 s31, s21  }
0x16a: {  	v0 =	vld [tilespmem:s21+$0x0];
	_ =	sdelay $0x4  }
0x16b: {  	(v2sf) =	vpush v0, $0x0;
	_ =	sdelay $0xd  }
0x16c: {  	s28 =	smov.u32 s22;
	s23 =	simm.s32 $0x38;
	s22 =	simm.s32 $0x5  }
0x16d: {  	s25 =	sadd.s32 $0x38, s28;
	s24 =	smov.u32 s28;
	s21 =	spop (v2sf)  }
.LBB2_7:
0x16e: {  	s26 =	smov.u32 s23  }
0x16f: {  	p0 =	sne.s32 s22, $0x1;
	s23 =	sshrl.u32 s25, $0x1F  }
0x170: {  	s23 =	sadd.s32 s23, s25  }
0x171: {  	s23 =	sshra.s32 s23, $0x1  }
0x172: {  	s25 =	sand.u32 $0xFFFFFF80, s23  }
0x173: {  	s29 =	sand.u32 $0x7F, s23;
	s25 =	sadd.s32 s25, s19  }
0x174: {  	s25 =	sadd.s32 s29, s25  }
0x175: {  	v0 =	vld [tilespmem:s25+$0x0];
	_ =	sdelay $0x4  }
0x176: {  	(v2sf) =	vpush v0, $0x0;
	_ =	sdelay $0xd  }
.Ltmp8:
0x177: {  	(pc) =	sbr.rel @p0 .LBB2_7-.Ltmp8, $4  }
0x178: {  	s25 =	spop (v2sf)  }
0x179: {  	p1 =	seq.s32 s25, s21  }
0x17a: {  	s24 =	smov.u32 @p1 s23;
	s23 =	smov.u32 @p1 s26  }
0x17b: {  	s22 =	sadd.s32 $0xFFFFFFFF, s22;
	s25 =	sadd.s32 s24, s23  }
0x17c: {  	s22 =	sshrl.u32 s25, $0x1F  }
0x17d: {  	s22 =	sadd.s32 s22, s25  }
0x17e: {  	s22 =	sshra.s32 s22, $0x1  }
0x17f: {  	s24 =	sand.u32 $0xFFFFFF80, s22  }
0x180: {  	s29 =	sand.u32 $0x7F, s22;
	s24 =	sadd.s32 s24, s19  }
0x181: {  	s24 =	sadd.s32 s29, s24  }
0x182: {  	v0 =	vld [tilespmem:s24+$0x0];
	_ =	sdelay $0x4  }
0x183: {  	(v2sf) =	vpush v0, $0x0;
	_ =	sdelay $0xe  }
0x184: {  	s30 =	spop (v2sf)  }
0x185: {  	p0 =	seq.s32 s30, s21  }
0x186: {  	s22 =	smov.u32 @p0 s23  }
0x187: {  	s23 =	ssub.s32 s22, s28  }
0x188: {  	s31 =	sshrl.u32 s23, $0x1F  }
0x189: {  	s24 =	sadd.s32 s31, s23  }
0x18a: {  	s24 =	sand.u32 $0xFFFFFFFE, s24  }
0x18b: {  	s25 =	sadd.s32 s28, s24  }
0x18c: {  	v5 =	vimm.f32 $0.0e+00;
	v4 =	vimm.f32 $0.0e+00;
	p0 =	sge.s32 s28, s25  }
.Ltmp9:
0x18d: {  	v6 =	vimm.f32 $0.0e+00;
	v1 =	vimm.f32 $0.0e+00;
	v7 =	vimm.f32 $0.0e+00;
	(pc) =	sbr.rel @p0 .LBB2_12-.Ltmp9, $4  }
0x18e: {  	v33 =	vimm.f32 $0.0e+00;
	v8 =	vimm.f32 $0.0e+00;
	v9 =	vimm.f32 $0.0e+00  }
0x18f: {  	v12 =	vimm.f32 $0.0e+00;
	v11 =	vimm.f32 $0.0e+00;
	v14 =	vimm.f32 $0.0e+00  }
0x190: {  	v10 =	vimm.f32 $0.0e+00;
	v2 =	vimm.f32 $0.0e+00;
	v3 =	vimm.f32 $0.0e+00  }
0x191: {  	v15 =	vimm.f32 $0.0e+00;
	v16 =	vimm.f32 $0.0e+00;
	v0 =	vimm.f32 $0.0e+00  }
0x192: {  	v0 =	vld [tilespmem:$0x7100];
	_ =	sdelay $0x4  }
0x193: {  	[tilespmem:$0x1FF00] =	vst v0;
	v0 =	vld [tilespmem:$0x7110];
	_ =	sdelay $0x4  }
0x194: {  	[tilespmem:$0x1FF10] =	vst v0;
	v0 =	vld [tilespmem:$0x7120];
	_ =	sdelay $0x4  }
0x195: {  	[tilespmem:$0x1FF20] =	vst v0;
	v0 =	vld [tilespmem:$0x7130];
	_ =	sdelay $0x4  }
0x196: {  	[tilespmem:$0x1FF30] =	vst v0;
	v0 =	vld [tilespmem:$0x7140];
	_ =	sdelay $0x4  }
0x197: {  	[tilespmem:$0x1FF40] =	vst v0;
	v0 =	vld [tilespmem:$0x7150];
	_ =	sdelay $0x4  }
0x198: {  	[tilespmem:$0x1FF50] =	vst v0;
	v0 =	vld [tilespmem:$0x7160];
	_ =	sdelay $0x4  }
0x199: {  	[tilespmem:$0x1FF60] =	vst v0;
	v0 =	vld [tilespmem:$0x7170];
	_ =	sdelay $0x4  }
0x19a: {  	[tilespmem:$0x1FF70] =	vst v0;
	v0 =	vld [tilespmem:$0x7180];
	_ =	sdelay $0x4  }
0x19b: {  	[tilespmem:$0x1FF80] =	vst v0;
	v0 =	vld [tilespmem:$0x7190];
	_ =	sdelay $0x4  }
0x19c: {  	[tilespmem:$0x1FF90] =	vst v0;
	v0 =	vld [tilespmem:$0x71A0];
	_ =	sdelay $0x4  }
0x19d: {  	[tilespmem:$0x1FFA0] =	vst v0;
	v0 =	vld [tilespmem:$0x71B0];
	_ =	sdelay $0x4  }
0x19e: {  	[tilespmem:$0x1FFB0] =	vst v0;
	v0 =	vld [tilespmem:$0x71C0];
	_ =	sdelay $0x4  }
0x19f: {  	[tilespmem:$0x1FFC0] =	vst v0;
	v0 =	vld [tilespmem:$0x71D0];
	_ =	sdelay $0x4  }
0x1a0: {  	[tilespmem:$0x1FFD0] =	vst v0;
	v0 =	vld [tilespmem:$0x71E0]  }
0x1a1: {  	v3 =	vld [tilespmem:$0x1FF00]  }
0x1a2: {  	v7 =	vld [tilespmem:$0x1FF10]  }
0x1a3: {  	v9 =	vld [tilespmem:$0x1FF20]  }
0x1a4: {  	v20 =	vld [tilespmem:$0x1FF30]  }
0x1a5: {  	[tilespmem:$0x1FFE0] =	vst v0;
	v0 =	vld [tilespmem:$0x71F0]  }
0x1a6: {  	s29 =	sshll.u32 s28, $0x8;
	v21 =	vld [tilespmem:$0x1FF40]  }
0x1a7: {  	s26 =	sshll.u32 s28, $0x7;
	s29 =	sadd.s32 $0x100, s29;
	v22 =	vld [tilespmem:$0x1FF50]  }
0x1a8: {  	s26 =	sadd.s32 $0x80, s26;
	s30 =	sand.u32 $0xFFFFF800, s29;
	v23 =	vld [tilespmem:$0x1FF60]  }
0x1a9: {  	s31 =	sand.u32 $0x380, s26;
	s30 =	sadd.s32 s30, s20;
	v24 =	vld [tilespmem:$0x1FF70]  }
0x1aa: {  	s30 =	sadd.s32 s31, s30;
	v25 =	vld [tilespmem:$0x1FF80];
	[tilespmem:$0x1FFF0] =	vst v0  }
0x1ab: {  	v0 =	vld [tilespmem:s30+$0x0]  }
0x1ac: {  	v1 =	vld [tilespmem:s30+$0x10]  }
0x1ad: {  	v2 =	vld [tilespmem:s30+$0x20]  }
0x1ae: {  	v5 =	vld [tilespmem:s30+$0x30]  }
0x1af: {  	v6 =	vld [tilespmem:s30+$0x40]  }
0x1b0: {  	v8 =	vld [tilespmem:s30+$0x50]  }
0x1b1: {  	v10 =	vld [tilespmem:s30+$0x60]  }
0x1b2: {  	v11 =	vld [tilespmem:s30+$0x70]  }
0x1b3: {  	v12 =	vld [tilespmem:s30+$0x400]  }
0x1b4: {  	v13 =	vld [tilespmem:s30+$0x410]  }
0x1b5: {  	v14 =	vld [tilespmem:s30+$0x420]  }
0x1b6: {  	v17 =	vld [tilespmem:s30+$0x430]  }
0x1b7: {  	s0 =	sadd.s32 $0xFFFFFF00, s29;
	v15 =	vld [tilespmem:s30+$0x440]  }
0x1b8: {  	s31 =	sand.u32 $0xFFFFF800, s0;
	s0 =	sadd.s32 $0xFFFFFF80, s26;
	v16 =	vld [tilespmem:s30+$0x450]  }
0x1b9: {  	s0 =	sand.u32 $0x380, s0;
	s31 =	sadd.s32 s31, s20;
	v27 =	vld [tilespmem:s30+$0x460]  }
0x1ba: {  	s0 =	sadd.s32 s0, s31;
	v28 =	vld [tilespmem:s30+$0x470]  }
0x1bb: {  	v35 =	vld [tilespmem:s0+$0x0];
	[tilespmem:$0x1FD80] =	vst v0  }
0x1bc: {  	v26 =	vld [tilespmem:$0x1FF90];
	[tilespmem:$0x1FD90] =	vst v1  }
0x1bd: {  	v36 =	vmul.f32 v0, v3;
	v0 =	vld [tilespmem:s0+$0x10];
	[tilespmem:$0x1FDA0] =	vst v2  }
0x1be: {  	v29 =	vld [tilespmem:$0x1FFA0];
	[tilespmem:$0x1FDB0] =	vst v5  }
0x1bf: {  	v37 =	vld [tilespmem:s0+$0x20];
	[tilespmem:$0x1FDC0] =	vst v6  }
0x1c0: {  	v30 =	vld [tilespmem:$0x1FFB0];
	[tilespmem:$0x1FDD0] =	vst v8  }
0x1c1: {  	v40 =	vld [tilespmem:s0+$0x30];
	[tilespmem:$0x1FDE0] =	vst v10  }
0x1c2: {  	v31 =	vld [tilespmem:$0x1FFC0];
	[tilespmem:$0x1FDF0] =	vst v11  }
0x1c3: {  	v38 =	vld [tilespmem:s0+$0x40];
	[tilespmem:$0x1FE00] =	vst v12  }
0x1c4: {  	v33 =	vld [tilespmem:$0x1FFD0];
	v1 =	vmul.f32 v1, v7;
	[tilespmem:$0x1FE10] =	vst v13  }
0x1c5: {  	v4 =	vmul.f32 v2, v9;
	v59 =	vmul.f32 v11, v24;
	v41 =	vld [tilespmem:s0+$0x50];
	[tilespmem:$0x1FE20] =	vst v14  }
0x1c6: {  	v55 =	vld [tilespmem:$0x1FFF0];
	v60 =	vmul.f32 v12, v25;
	v61 =	vmul.f32 v13, v26;
	[tilespmem:$0x1FE30] =	vst v17  }
0x1c7: {  	v62 =	vmul.f32 v14, v29;
	v63 =	vmul.f32 v17, v30;
	v51 =	vld [tilespmem:s0+$0x60];
	[tilespmem:$0x1FE40] =	vst v15  }
0x1c8: {  	v34 =	vld [tilespmem:$0x1FFE0];
	v19 =	vmul.f32 v3, v35;
	v5 =	vmul.f32 v5, v20;
	[tilespmem:$0x1FE50] =	vst v16  }
0x1c9: {  	v2 =	vmul.f32 v8, v22;
	v6 =	vmul.f32 v6, v21;
	v54 =	vld [tilespmem:s0+$0x70]  }
0x1ca: {  	v8 =	vmul.f32 v10, v23;
	v3 =	vadd.f32 v1, v36;
	v36 =	vadd.f32 v63, v62;
	v45 =	vld [tilespmem:s0+$0x400]  }
0x1cb: {  	v4 =	vadd.f32 v5, v4;
	v5 =	vadd.f32 v2, v6;
	v42 =	vld [tilespmem:s0+$0x410]  }
0x1cc: {  	v18 =	vmul.f32 v28, v55;
	v2 =	vadd.f32 v59, v8;
	v8 =	vadd.f32 v61, v60;
	v46 =	vld [tilespmem:s0+$0x420]  }
0x1cd: {  	v17 =	vmul.f32 v27, v34;
	v3 =	vadd.f32 v4, v3;
	v15 =	vmul.f32 v15, v31;
	v44 =	vld [tilespmem:s0+$0x430]  }
0x1ce: {  	v16 =	vmul.f32 v16, v33;
	v32 =	vmul.f32 v7, v0;
	v4 =	vadd.f32 v2, v5;
	v39 =	vld [tilespmem:s0+$0x440]  }
0x1cf: {  	v2 =	vadd.f32 v36, v8;
	v47 =	vmul.f32 v9, v37;
	v43 =	vld [tilespmem:s0+$0x450];
	v59 =	vadd.f32 v18, v17  }
0x1d0: {  	v50 =	vld [tilespmem:s0+$0x460];
	v48 =	vmul.f32 v20, v40;
	v56 =	vadd.f32 v16, v15;
	v49 =	vmul.f32 v21, v38  }
0x1d1: {  	v52 =	vld [tilespmem:s0+$0x470];
	v58 =	vadd.f32 v32, v19;
	v53 =	vmul.f32 v22, v41;
	v1 =	vmul.f32 v23, v51  }
0x1d2: {  	v3 =	vadd.f32 v4, v3;
	v6 =	vmul.f32 v24, v54;
	v23 =	vmul.f32 v25, v45  }
0x1d3: {  	v17 =	vadd.f32 v48, v47;
	v57 =	vmul.f32 v26, v42;
	v16 =	vmul.f32 v29, v46  }
0x1d4: {  	v8 =	vadd.f32 v59, v56;
	v18 =	vmul.f32 v30, v44;
	v60 =	vmul.f32 v31, v39  }
0x1d5: {  	v19 =	vadd.f32 v53, v49;
	v5 =	vmul.f32 v33, v43;
	v61 =	vmul.f32 v34, v50  }
0x1d6: {  	v62 =	vmul.f32 v55, v52;
	v4 =	vadd.f32 v8, v2;
	v1 =	vadd.f32 v6, v1  }
0x1d7: {  	v6 =	vadd.f32 v57, v23;
	v2 =	vadd.f32 v18, v16  }
0x1d8: {  	v5 =	vadd.f32 v5, v60;
	v8 =	vadd.f32 v62, v61  }
0x1d9: {  	v63 =	vadd.f32 v17, v58;
	v1 =	vadd.f32 v1, v19  }
0x1da: {  	v6 =	vadd.f32 v2, v6;
	v2 =	vadd.f32 v8, v5  }
0x1db: {  	v5 =	vadd.f32 v1, v63;
	v1 =	vimm.f32 $0.0e+00  }
0x1dc: {  	v6 =	vadd.f32 v2, v6;
	v2 =	vimm.f32 $0.0e+00;
	[tilespmem:$0x1FE60] =	vst v1  }
0x1dd: {  	[tilespmem:$0x1FE70] =	vst v2;
	v2 =	vimm.f32 $0.0e+00  }
0x1de: {  	[tilespmem:$0x1FE80] =	vst v2;
	v2 =	vimm.f32 $0.0e+00  }
0x1df: {  	s28 =	sadd.s32 $0x2, s28;
	[tilespmem:$0x1FE90] =	vst v2;
	v2 =	vimm.f32 $0.0e+00  }
0x1e0: {  	p0 =	slt.s32 s28, s25;
	[tilespmem:$0x1FEA0] =	vst v2;
	v2 =	vimm.f32 $0.0e+00  }
.Ltmp10:
0x1e1: {  	[tilespmem:$0x1FEB0] =	vst v2;
	v2 =	vimm.f32 $0.0e+00;
	(pc) =	sbr.rel @!p0 .LBB2_11-.Ltmp10, $4  }
0x1e2: {  	v36 =	vimm.f32 $0.0e+00;
	v31 =	vimm.f32 $0.0e+00;
	[tilespmem:$0x1FEC0] =	vst v2;
	v2 =	vimm.f32 $0.0e+00  }
0x1e3: {  	v34 =	vimm.f32 $0.0e+00;
	v8 =	vadd.f32 v4, v3;
	[tilespmem:$0x1FED0] =	vst v2;
	v2 =	vimm.f32 $0.0e+00  }
0x1e4: {  	v4 =	vimm.f32 $0.0e+00;
	v19 =	vimm.f32 $0.0e+00;
	[tilespmem:$0x1FEE0] =	vst v2;
	v2 =	vimm.f32 $0.0e+00  }
0x1e5: {  	s29 =	sadd.s32 $0x200, s29;
	v63 =	vimm.f32 $0.0e+00;
	(xrf2) =	vadd.scan.msk.f32 $0xffff, v8;
	v1 =	vimm.f32 $0.0e+00;
	[tilespmem:$0x1FEF0] =	vst v2  }
.LBB2_10:
0x1e6: {  	_ =	sdelay $0x4  }
0x1e7: {  	v5 =	vadd.f32 v6, v5;
	_ =	sdelay $0x1  }
0x1e8: {  	(xrf2) =	vadd.scan.msk.f32 $0xffff, v5;
	_ =	sdelay $0x1  }
0x1e9: {  	v5, _, _ =	vpop (xrf2)  }
0x1ea: {  	v5 =	vadd.f32 $0.0e+00, v5;
	_ =	sdelay $0x1  }
0x1eb: {  	s0 =	sand.u32 $0xFFFFF800, s29;
	s26 =	sadd.s32 $0x100, s26;
	v5 =	vmul.f32 $1.442695020e+00, v5  }
0x1ec: {  	s30 =	sand.u32 $0x380, s26;
	s0 =	sadd.s32 s0, s20  }
0x1ed: {  	s30 =	sadd.s32 s30, s0;
	v5 =	vbroadcast v5, $0xF  }
0x1ee: {  	v2 =	vld [tilespmem:s30+$0x0]  }
0x1ef: {  	(erf) = vpow2.f32 v5;
	v5 =	vld [tilespmem:$0x1FF00]  }
0x1f0: {  	v9 =	vld [tilespmem:s30+$0x10];
	v6, _, _ =	vpop (xrf2)  }
0x1f1: {  	v8 =	vadd.f32 $0.0e+00, v6;
	v6 =	vld [tilespmem:$0x1FF10]  }
0x1f2: {  	v48 =	vld [tilespmem:$0x1FF20]  }
0x1f3: {  	v20 =	vld [tilespmem:s30+$0x20]  }
0x1f4: {  	v49 =	vld [tilespmem:$0x1FF30];
	v3 =	vmul.f32 v2, v5  }
0x1f5: {  	v21 =	vld [tilespmem:s30+$0x30]  }
0x1f6: {  	v53 =	vld [tilespmem:$0x1FF40];
	[tilespmem:$0x1FCC0] =	vst v3;
	v3 =	vmul.f32 v9, v6  }
0x1f7: {  	v22 =	vld [tilespmem:s30+$0x40]  }
0x1f8: {  	v55 =	vld [tilespmem:$0x1FF50];
	[tilespmem:$0x1FCD0] =	vst v3;
	v3 =	vmul.f32 v20, v48  }
0x1f9: {  	v23 =	vld [tilespmem:s30+$0x50]  }
0x1fa: {  	v32 =	vld [tilespmem:$0x1FF60];
	[tilespmem:$0x1FCE0] =	vst v3;
	v3 =	vmul.f32 v21, v49  }
0x1fb: {  	v24 =	vld [tilespmem:s30+$0x60]  }
0x1fc: {  	v56 =	vld [tilespmem:$0x1FF70];
	[tilespmem:$0x1FCF0] =	vst v3;
	v3 =	vmul.f32 v22, v53  }
0x1fd: {  	v25 =	vld [tilespmem:s30+$0x70];
	v11 =	vmul.f32 $1.442695020e+00, v8  }
0x1fe: {  	v26 =	vld [tilespmem:s30+$0x400];
	[tilespmem:$0x1FD00] =	vst v3;
	v3 =	vmul.f32 v23, v55  }
0x1ff: {  	v15 =	vbroadcast v11, $0xF;
	v11 =	vld [tilespmem:$0x1FF80]  }
0x200: {  	v58 =	vld [tilespmem:$0x1FFA0];
	[tilespmem:$0x1FD10] =	vst v3;
	v3 =	vmul.f32 v24, v32  }
0x201: {  	v16 =	vmov v28;
	v28 =	vld [tilespmem:s30+$0x420]  }
0x202: {  	v59 =	vld [tilespmem:$0x1FFB0];
	[tilespmem:$0x1FD20] =	vst v3;
	v3 =	vmul.f32 v25, v56  }
0x203: {  	v29 =	vld [tilespmem:s30+$0x430]  }
0x204: {  	v62 =	vld [tilespmem:$0x1FFE0];
	[tilespmem:$0x1FD30] =	vst v3;
	v3 =	vmul.f32 v26, v11  }
0x205: {  	v33 =	vld [tilespmem:s30+$0x460]  }
0x206: {  	[tilespmem:$0x1FD40] =	vst v3;
	v3 =	vmul.f32 v28, v58;
	_ =	sdelay $0x1  }
0x207: {  	[tilespmem:$0x1FD50] =	vst v3;
	v3 =	vmul.f32 v29, v59;
	_ =	sdelay $0x1  }
0x208: {  	v12 =	vld [tilespmem:$0x1FDB0];
	[tilespmem:$0x1FD60] =	vst v3;
	v3 =	vmul.f32 v33, v62  }
0x209: {  	v10 =	vmov v21;
	v21 =	vld [tilespmem:$0x1FDC0]  }
0x20a: {  	v47 =	vmov v2;
	[tilespmem:$0x1FD70] =	vst v3;
	v3 =	vld [tilespmem:$0x1FD80]  }
0x20b: {  	[tilespmem:$0x1FD80] =	vst v47;
	v47 =	vld [tilespmem:$0x1FDD0];
	_ =	sdelay $0x2  }
0x20c: {  	v8 =	vmov v34;
	v34 =	vpop (erf)  }
0x20d: {  	[tilespmem:$0x1FDB0] =	vst v10;
	v10 =	vmovc v22;
	v2 =	vmov v9;
	v9 =	vmul.f32 v34, v12;
	v22 =	vmov v23;
	v23 =	vld [tilespmem:$0x1FDE0]  }
0x20e: {  	v12 =	vmov v20;
	v20 =	vmul.f32 v34, v21;
	v21 =	vmul.f32 v34, v47;
	v47 =	vld [tilespmem:$0x1FDF0];
	_ =	sdelay $0x3  }
0x20f: {  	v7 =	vld [tilespmem:$0x1FD90];
	[tilespmem:$0x1FD90] =	vst v2  }
0x210: {  	v14 =	vmovc v27;
	v27 =	vld [tilespmem:s30+$0x410];
	[tilespmem:$0x1FDD0] =	vst v22;
	v22 =	vmul.f32 v34, v23;
	v23 =	vmul.f32 v34, v47;
	v47 =	vmov v25  }
0x211: {  	[tilespmem:$0x1FDF0] =	vst v47;
	v47 =	vld [tilespmem:$0x1FE10]  }
0x212: {  	v2 =	vld [tilespmem:$0x1FDA0];
	[tilespmem:$0x1FDA0] =	vst v12;
	v12 =	vmov v24  }
0x213: {  	(erf) = vpow2.f32 v15;
	[tilespmem:$0x1FDE0] =	vst v12;
	v12 =	vld [tilespmem:$0x1FE00];
	_ =	sdelay $0x2  }
0x214: {  	v57 =	vld [tilespmem:$0x1FF90];
	v25 =	vmul.f32 v34, v47;
	v47 =	vmov v27  }
0x215: {  	[tilespmem:$0x1FE10] =	vst v47;
	v47 =	vld [tilespmem:$0x1FE30]  }
0x216: {  	v24 =	vmul.f32 v34, v12;
	v12 =	vld [tilespmem:$0x1FE20]  }
0x217: {  	v30 =	vld [tilespmem:s30+$0x440];
	_ =	sdelay $0x2  }
0x218: {  	v13 =	vmov v31;
	v15 =	vmul.f32 v27, v57;
	v27 =	vmul.f32 v34, v47;
	v47 =	vpop (erf)  }
0x219: {  	v31 =	vld [tilespmem:s30+$0x450];
	[tilespmem:$0x1FDC0] =	vst v10;
	v10 =	vmovc v26;
	v26 =	vmul.f32 v34, v12;
	v12 =	vmov v28;
	v28 =	vadd.f32 v47, v19  }
0x21a: {  	[tilespmem:$0x1FE20] =	vst v12;
	v12 =	vld [tilespmem:$0x1FE40];
	v19 =	vmovc v29;
	v29 =	vmul.f32 v47, v35;
	v35 =	vmul.f32 v47, v0;
	v0 =	vmov v30  }
0x21b: {  	[tilespmem:$0x1FE40] =	vst v0;
	v0 =	vld [tilespmem:$0x1FE60];
	_ =	sdelay $0x2  }
0x21c: {  	v60 =	vld [tilespmem:$0x1FFC0];
	[tilespmem:$0x1FE00] =	vst v10  }
0x21d: {  	v10 =	vmul.f32 v34, v12;
	v12 =	vld [tilespmem:$0x1FE50];
	[tilespmem:$0x1FE30] =	vst v19;
	v19 =	vmov v31  }
0x21e: {  	[tilespmem:$0x1FE50] =	vst v19;
	v19 =	vadd.f32 v34, v28;
	v28 =	vadd.f32 v29, v0;
	v0 =	vld [tilespmem:$0x1FE70];
	_ =	sdelay $0x2  }
0x21f: {  	v18 =	vmul.f32 v30, v60;
	v30 =	vmul.f32 v47, v37;
	_ =	sdelay $0x1  }
0x220: {  	v2 =	vmul.f32 v34, v2;
	v0 =	vadd.f32 v30, v0;
	_ =	sdelay $0x1  }
0x221: {  	v0 =	vadd.f32 v2, v0;
	_ =	sdelay $0x1  }
0x222: {  	[tilespmem:$0x1FE70] =	vst v0;
	v0 =	vld [tilespmem:$0x1FE80];
	_ =	sdelay $0x2  }
0x223: {  	v29 =	vmul.f32 v47, v38;
	_ =	sdelay $0x1  }
0x224: {  	v2 =	vadd.f32 v29, v0;
	v0 =	vld [tilespmem:$0x1FE90]  }
0x225: {  	v61 =	vld [tilespmem:$0x1FFD0];
	_ =	sdelay $0x1  }
0x226: {  	v7 =	vmul.f32 v34, v7;
	v1 =	vadd.f32 v35, v1;
	v30 =	vmul.f32 v47, v41;
	_ =	sdelay $0x1  }
0x227: {  	v1 =	vadd.f32 v7, v1;
	v7 =	vadd.f32 v30, v0;
	v0 =	vld [tilespmem:$0x1FEA0]  }
0x228: {  	v17 =	vmul.f32 v31, v61;
	v31 =	vmul.f32 v47, v40;
	_ =	sdelay $0x1  }
0x229: {  	v3 =	vmul.f32 v34, v3;
	v4 =	vadd.f32 v31, v4;
	v31 =	vmul.f32 v47, v51;
	_ =	sdelay $0x1  }
0x22a: {  	v3 =	vadd.f32 v3, v28;
	v28 =	vadd.f32 v31, v0;
	v0 =	vld [tilespmem:$0x1FEB0];
	_ =	sdelay $0x2  }
0x22b: {  	[tilespmem:$0x1FE60] =	vst v3;
	v3 =	vmul.f32 v47, v54;
	_ =	sdelay $0x1  }
0x22c: {  	v3 =	vadd.f32 v3, v0;
	v0 =	vadd.f32 v20, v2;
	_ =	sdelay $0x1  }
0x22d: {  	[tilespmem:$0x1FE80] =	vst v0;
	v0 =	vadd.f32 v21, v7;
	_ =	sdelay $0x1  }
0x22e: {  	[tilespmem:$0x1FE90] =	vst v0;
	v0 =	vadd.f32 v22, v28;
	_ =	sdelay $0x1  }
0x22f: {  	[tilespmem:$0x1FEA0] =	vst v0;
	v0 =	vadd.f32 v23, v3;
	v3 =	vld [tilespmem:$0x1FEC0]  }
0x230: {  	s31 =	sadd.s32 $0xFFFFFF00, s29  }
0x231: {  	s0 =	sand.u32 $0xFFFFF800, s31;
	s31 =	sadd.s32 $0xFFFFFF80, s26;
	v7 =	vld [tilespmem:$0x1FED0]  }
0x232: {  	s31 =	sand.u32 $0x380, s31;
	s0 =	sadd.s32 s0, s20;
	v41 =	vmul.f32 v47, v45;
	v31 =	vmul.f32 v47, v46;
	v46 =	vld [tilespmem:$0x1FEF0]  }
0x233: {  	s31 =	sadd.s32 s31, s0  }
0x234: {  	v37 =	vld [tilespmem:s31+$0x20];
	v29 =	vmul.f32 v47, v42;
	v3 =	vadd.f32 v41, v3  }
0x235: {  	v35 =	vld [tilespmem:s31+$0x0];
	v2 =	vmul.f32 v47, v44  }
0x236: {  	v40 =	vld [tilespmem:s31+$0x30];
	v7 =	vadd.f32 v29, v7;
	v3 =	vadd.f32 v24, v3  }
0x237: {  	v38 =	vld [tilespmem:s31+$0x40];
	v2 =	vadd.f32 v2, v46  }
0x238: {  	v54 =	vmul.f32 v47, v50;
	v50 =	vmul.f32 v34, v16;
	v16 =	vld [tilespmem:$0x1FD60];
	[tilespmem:$0x1FEC0] =	vst v3;
	v3 =	vadd.f32 v25, v7  }
0x239: {  	v45 =	vmul.f32 v47, v39;
	v2 =	vadd.f32 v27, v2;
	[tilespmem:$0x1FEB0] =	vst v0;
	v0 =	vld [tilespmem:s31+$0x10]  }
0x23a: {  	v39 =	vld [tilespmem:s31+$0x440];
	[tilespmem:$0x1FED0] =	vst v3;
	v3 =	vmul.f32 v47, v52  }
0x23b: {  	v42 =	vld [tilespmem:s31+$0x410];
	[tilespmem:$0x1FEF0] =	vst v2;
	v2 =	vadd.f32 v45, v63  }
0x23c: {  	v12 =	vmul.f32 v34, v12;
	v30 =	vld [tilespmem:s30+$0x470];
	v3 =	vadd.f32 v3, v8  }
0x23d: {  	v51 =	vmul.f32 v47, v43;
	v63 =	vadd.f32 v10, v2;
	v2 =	vmul.f32 v5, v35;
	v5 =	vld [tilespmem:$0x1FCC0]  }
0x23e: {  	v43 =	vmul.f32 v34, v14;
	v34 =	vadd.f32 v50, v3;
	v3 =	vmul.f32 v6, v0;
	v6 =	vld [tilespmem:$0x1FCD0]  }
0x23f: {  	v20 =	vld [tilespmem:$0x1FEE0]  }
0x240: {  	v44 =	vld [tilespmem:s31+$0x430]  }
0x241: {  	v46 =	vld [tilespmem:s31+$0x420]  }
0x242: {  	v45 =	vld [tilespmem:s31+$0x400]  }
0x243: {  	v27 =	vmov v33;
	v33 =	vadd.f32 v6, v5;
	v5 =	vld [tilespmem:$0x1FCE0]  }
0x244: {  	v6 =	vld [tilespmem:$0x1FCF0]  }
0x245: {  	v20 =	vadd.f32 v31, v20;
	v10 =	vmul.f32 v53, v38;
	v53 =	vld [tilespmem:$0x1FD30]  }
0x246: {  	v41 =	vld [tilespmem:s31+$0x50]  }
0x247: {  	v7 =	vadd.f32 v26, v20;
	v20 =	vadd.f32 v54, v13;
	v54 =	vld [tilespmem:s31+$0x70]  }
0x248: {  	v13 =	vld [tilespmem:$0x1FFF0]  }
0x249: {  	[tilespmem:$0x1FEE0] =	vst v7;
	v7 =	vadd.f32 v51, v36;
	v8 =	vadd.f32 v6, v5;
	v5 =	vld [tilespmem:$0x1FD00]  }
0x24a: {  	v6 =	vld [tilespmem:$0x1FD10]  }
0x24b: {  	v36 =	vadd.f32 v12, v7;
	v12 =	vmul.f32 v55, v41;
	v55 =	vld [tilespmem:$0x1FD40]  }
0x24c: {  	v47 =	vmul.f32 v56, v54;
	v56 =	vmul.f32 v57, v42;
	v57 =	vld [tilespmem:$0x1FD50]  }
0x24d: {  	v4 =	vadd.f32 v9, v4;
	v50 =	vld [tilespmem:s31+$0x460]  }
0x24e: {  	v9 =	vmul.f32 v49, v40;
	v7 =	vmul.f32 v48, v37;
	v2 =	vadd.f32 v3, v2;
	v3 =	vld [tilespmem:$0x1FD70]  }
0x24f: {  	v17 =	vadd.f32 v17, v18;
	v24 =	vmul.f32 v11, v45;
	v5 =	vadd.f32 v6, v5;
	v6 =	vld [tilespmem:$0x1FD20]  }
0x250: {  	v28 =	vmovc v30;
	v18 =	vmul.f32 v58, v46;
	v31 =	vadd.f32 v43, v20;
	v52 =	vld [tilespmem:s31+$0x470];
	v7 =	vadd.f32 v9, v7  }
0x251: {  	v51 =	vld [tilespmem:s31+$0x60];
	v22 =	vmul.f32 v28, v13;
	v58 =	vadd.f32 v12, v10;
	v14 =	vadd.f32 v56, v24  }
0x252: {  	v43 =	vld [tilespmem:s31+$0x450];
	v11 =	vadd.f32 v15, v55;
	v15 =	vadd.f32 v16, v57  }
0x253: {  	v16 =	vmul.f32 v59, v44;
	v59 =	vmul.f32 v60, v39;
	v3 =	vadd.f32 v22, v3  }
0x254: {  	v2 =	vadd.f32 v7, v2;
	v60 =	vmul.f32 v62, v50;
	v6 =	vadd.f32 v53, v6  }
0x255: {  	v11 =	vadd.f32 v15, v11;
	v3 =	vadd.f32 v3, v17;
	v17 =	vmul.f32 v13, v52  }
0x256: {  	v20 =	vmul.f32 v32, v51;
	v8 =	vadd.f32 v8, v33;
	v5 =	vadd.f32 v6, v5  }
0x257: {  	s28 =	sadd.s32 $0x2, s28;
	v3 =	vadd.f32 v3, v11;
	v62 =	vadd.f32 v17, v60;
	v6 =	vmul.f32 v61, v43  }
0x258: {  	p0 =	slt.s32 s28, s25;
	v61 =	vadd.f32 v47, v20;
	v5 =	vadd.f32 v5, v8  }
.Ltmp11:
0x259: {  	v8 =	vadd.f32 v16, v18;
	v6 =	vadd.f32 v6, v59;
	(pc) =	sbr.rel @p0 .LBB2_10-.Ltmp11, $3  }
0x25a: {  	v3 =	vadd.f32 v3, v5;
	v5 =	vadd.f32 v61, v58  }
0x25b: {  	v7 =	vadd.f32 v8, v14;
	v6 =	vadd.f32 v62, v6;
	_ =	sdelay $0x1  }
0x25c: {  	s29 =	sadd.s32 $0x200, s29;
	(xrf2) =	vadd.scan.msk.f32 $0xffff, v3;
	v5 =	vadd.f32 v5, v2;
	v6 =	vadd.f32 v6, v7  }
.LBB2_11:
0x25d: {  	_ =	sdelay $0x3  }
0x25e: {  	v2 =	vadd.f32 v6, v5;
	_ =	sdelay $0x1  }
0x25f: {  	(xrf2) =	vadd.scan.msk.f32 $0xffff, v2;
	_ =	sdelay $0x2  }
0x260: {  	v2, _, _ =	vpop (xrf2)  }
0x261: {  	v2 =	vadd.f32 $0.0e+00, v2;
	_ =	sdelay $0x1  }
0x262: {  	v2 =	vmul.f32 $1.442695020e+00, v2;
	_ =	sdelay $0x1  }
0x263: {  	v2 =	vbroadcast v2, $0xF;
	_ =	sdelay $0x1  }
0x264: {  	v3, _, _ =	vpop (xrf2);
	(erf) = vpow2.f32 v2  }
0x265: {  	v3 =	vadd.f32 $0.0e+00, v3;
	_ =	sdelay $0x1  }
0x266: {  	v2 =	vmul.f32 $1.442695020e+00, v3;
	_ =	sdelay $0x1  }
0x267: {  	v5 =	vld [tilespmem:$0x1FD90];
	v2 =	vbroadcast v2, $0xF;
	_ =	sdelay $0x3  }
0x268: {  	(erf) = vpow2.f32 v2;
	v2 =	vpop (erf)  }
0x269: {  	v6 =	vmul.f32 v2, v5;
	v5 =	vld [tilespmem:$0x1FDA0];
	_ =	sdelay $0x4  }
0x26a: {  	v7 =	vmul.f32 v2, v5;
	v5 =	vld [tilespmem:$0x1FDB0];
	_ =	sdelay $0x4  }
0x26b: {  	v8 =	vmul.f32 v2, v5;
	v5 =	vld [tilespmem:$0x1FDC0];
	_ =	sdelay $0x2  }
0x26c: {  	v13 =	vld [tilespmem:$0x1FE40];
	_ =	sdelay $0x1  }
0x26d: {  	v9 =	vmul.f32 v2, v5;
	v5 =	vld [tilespmem:$0x1FDD0];
	_ =	sdelay $0x2  }
0x26e: {  	v29 =	vmul.f32 v2, v13;
	v13 =	vld [tilespmem:$0x1FE50];
	v18 =	vpop (erf)  }
0x26f: {  	v22 =	vmul.f32 v18, v0;
	v0 =	vld [tilespmem:$0x1FE60]  }
0x270: {  	v10 =	vmul.f32 v2, v5;
	v5 =	vld [tilespmem:$0x1FDE0];
	_ =	sdelay $0x1  }
0x271: {  	v21 =	vmul.f32 v18, v35  }
0x272: {  	v20 =	vmul.f32 v2, v13;
	v13 =	vld [tilespmem:$0x1FEA0]  }
0x273: {  	v21 =	vadd.f32 v21, v0;
	v0 =	vld [tilespmem:$0x1FE70]  }
0x274: {  	v11 =	vmul.f32 v2, v5;
	v5 =	vld [tilespmem:$0x1FDF0];
	_ =	sdelay $0x1  }
0x275: {  	v3 =	vld [tilespmem:$0x1FD80];
	v23 =	vmul.f32 v18, v37;
	v26 =	vmul.f32 v18, v51  }
0x276: {  	v24 =	vmul.f32 v18, v40;
	v1 =	vadd.f32 v22, v1  }
0x277: {  	v56 =	vadd.f32 v26, v13;
	v13 =	vld [tilespmem:$0x1FEB0];
	v23 =	vadd.f32 v23, v0  }
0x278: {  	v24 =	vadd.f32 v24, v4;
	v12 =	vmul.f32 v2, v5;
	v5 =	vld [tilespmem:$0x1FE00]  }
0x279: {  	v4 =	vadd.f32 v6, v1;
	v6 =	vadd.f32 v7, v23;
	v7 =	vld [tilespmem:$0x1FE80]  }
0x27a: {  	v3 =	vmul.f32 v2, v3  }
0x27b: {  	v53 =	vmul.f32 v18, v38  }
0x27c: {  	v1 =	vadd.f32 v8, v24;
	v8 =	vld [tilespmem:$0x1FE90];
	v0 =	vadd.f32 v3, v21;
	v3 =	vmul.f32 v18, v54  }
0x27d: {  	v14 =	vmul.f32 v2, v5;
	v5 =	vld [tilespmem:$0x1FE10]  }
0x27e: {  	v3 =	vadd.f32 v3, v13;
	v7 =	vadd.f32 v53, v7;
	_ =	sdelay $0x1  }
0x27f: {  	v25 =	vmul.f32 v18, v41;
	v7 =	vadd.f32 v9, v7;
	v9 =	vadd.f32 v12, v3;
	v12 =	vld [tilespmem:$0x1FEE0];
	_ =	sdelay $0x1  }
0x280: {  	v8 =	vadd.f32 v25, v8;
	v15 =	vmul.f32 v2, v5;
	v5 =	vld [tilespmem:$0x1FE20]  }
0x281: {  	v58 =	vmul.f32 v18, v46;
	v3 =	vld [tilespmem:$0x1FEC0]  }
0x282: {  	v33 =	vadd.f32 v10, v8;
	v8 =	vadd.f32 v11, v56;
	v11 =	vld [tilespmem:$0x1FED0]  }
0x283: {  	v60 =	vadd.f32 v58, v12;
	v12 =	vld [tilespmem:$0x1FEF0]  }
0x284: {  	v55 =	vmul.f32 v18, v45;
	v57 =	vmul.f32 v18, v42  }
0x285: {  	v59 =	vmul.f32 v18, v39;
	v16 =	vmul.f32 v2, v5;
	v5 =	vld [tilespmem:$0x1FE30]  }
0x286: {  	v10 =	vmul.f32 v18, v44;
	v3 =	vadd.f32 v55, v3  }
0x287: {  	v61 =	vmul.f32 v18, v43;
	v13 =	vadd.f32 v59, v63;
	v11 =	vadd.f32 v57, v11  }
0x288: {  	v62 =	vmul.f32 v18, v50;
	v10 =	vadd.f32 v10, v12;
	v12 =	vadd.f32 v14, v3  }
0x289: {  	v11 =	vadd.f32 v15, v11;
	v3 =	vmul.f32 v18, v52;
	v15 =	vadd.f32 v61, v36  }
0x28a: {  	v14 =	vadd.f32 v16, v60;
	v17 =	vmul.f32 v2, v5;
	v5 =	vadd.f32 v18, v19  }
0x28b: {  	v63 =	vmul.f32 v2, v28;
	v18 =	vadd.f32 v3, v34;
	v3 =	vadd.f32 v20, v15  }
0x28c: {  	v16 =	vmul.f32 v2, v27;
	v10 =	vadd.f32 v17, v10;
	v17 =	vadd.f32 v62, v31  }
0x28d: {  	v5 =	vadd.f32 v2, v5;
	v2 =	vadd.f32 v29, v13  }
0x28e: {  	v15 =	vadd.f32 v16, v17;
	v16 =	vadd.f32 v63, v18  }
.LBB2_12:
0x28f: {  	p0 =	sge.s32 s25, s22  }
.Ltmp12:
0x290: {  	_ = 	snop;
	(pc) =	sbr.rel @p0 .LBB2_15-.Ltmp12, $1  }
0x291: {  	_ =	sdelay $0x3  }
0x292: {  	v17 =	vld [tilespmem:$0x7100]  }
0x293: {  	v18 =	vld [tilespmem:$0x7110]  }
0x294: {  	v19 =	vld [tilespmem:$0x7120]  }
0x295: {  	v20 =	vld [tilespmem:$0x7130]  }
0x296: {  	v21 =	vld [tilespmem:$0x7140]  }
0x297: {  	v22 =	vld [tilespmem:$0x7150]  }
0x298: {  	v23 =	vld [tilespmem:$0x7160]  }
0x299: {  	v24 =	vld [tilespmem:$0x7170]  }
0x29a: {  	v25 =	vld [tilespmem:$0x7180]  }
0x29b: {  	v26 =	vld [tilespmem:$0x7190]  }
0x29c: {  	v27 =	vld [tilespmem:$0x71A0]  }
0x29d: {  	v28 =	vld [tilespmem:$0x71B0]  }
0x29e: {  	v29 =	vld [tilespmem:$0x71C0]  }
0x29f: {  	s23 =	ssub.s32 s23, s24;
	v30 =	vld [tilespmem:$0x71D0];
	s31 =	sshll.u32 s22, $0x7  }
0x2a0: {  	v31 =	vld [tilespmem:$0x71E0];
	s26 =	sshll.u32 s22, $0x8;
	s25 =	sshll.u32 s23, $0x7;
	s28 =	sshll.u32 s23, $0x8  }
0x2a1: {  	v32 =	vld [tilespmem:$0x71F0];
	s24 =	ssub.s32 s31, s25;
	s25 =	ssub.s32 s26, s28  }
.LBB2_14:
0x2a2: {  	s0 =	sand.u32 $0xFFFFF800, s25  }
0x2a3: {  	s26 =	sand.u32 $0x380, s24;
	s0 =	sadd.s32 s0, s20  }
0x2a4: {  	s0 =	sadd.s32 s26, s0  }
0x2a5: {  	v13 =	vld [tilespmem:s0+$0x0]  }
0x2a6: {  	v34 =	vld [tilespmem:s0+$0x10]  }
0x2a7: {  	v35 =	vld [tilespmem:s0+$0x20]  }
0x2a8: {  	v36 =	vld [tilespmem:s0+$0x30]  }
0x2a9: {  	v37 =	vld [tilespmem:s0+$0x40]  }
0x2aa: {  	v38 =	vld [tilespmem:s0+$0x50]  }
0x2ab: {  	v39 =	vld [tilespmem:s0+$0x60]  }
0x2ac: {  	v40 =	vld [tilespmem:s0+$0x70]  }
0x2ad: {  	v41 =	vld [tilespmem:s0+$0x400]  }
0x2ae: {  	v42 =	vld [tilespmem:s0+$0x410]  }
0x2af: {  	v43 =	vld [tilespmem:s0+$0x420]  }
0x2b0: {  	v44 =	vld [tilespmem:s0+$0x430]  }
0x2b1: {  	v47 =	vld [tilespmem:s0+$0x450];
	v46 =	vmul.f32 v17, v13;
	v48 =	vmul.f32 v18, v34  }
0x2b2: {  	v50 =	vld [tilespmem:s0+$0x460];
	v49 =	vmul.f32 v19, v35;
	v51 =	vmul.f32 v20, v36  }
0x2b3: {  	v53 =	vld [tilespmem:s0+$0x470];
	v52 =	vmul.f32 v21, v37;
	v54 =	vmul.f32 v22, v38  }
0x2b4: {  	v45 =	vld [tilespmem:s0+$0x440];
	v55 =	vmul.f32 v23, v39;
	v56 =	vmul.f32 v24, v40  }
0x2b5: {  	v57 =	vmul.f32 v25, v41;
	v58 =	vmul.f32 v26, v42  }
0x2b6: {  	v59 =	vmul.f32 v27, v43;
	v60 =	vmul.f32 v28, v44  }
0x2b7: {  	v61 =	vmul.f32 v30, v47;
	v62 =	vmul.f32 v31, v50  }
0x2b8: {  	v63 =	vmul.f32 v32, v53;
	v46 =	vadd.f32 v48, v46;
	v49 =	vadd.f32 v51, v49  }
0x2b9: {  	v48 =	vmul.f32 v29, v45;
	v52 =	vadd.f32 v54, v52;
	v55 =	vadd.f32 v56, v55  }
0x2ba: {  	v57 =	vadd.f32 v58, v57;
	v60 =	vadd.f32 v60, v59  }
0x2bb: {  	v48 =	vadd.f32 v61, v48;
	v61 =	vadd.f32 v63, v62  }
0x2bc: {  	v46 =	vadd.f32 v49, v46;
	v62 =	vadd.f32 v55, v52  }
0x2bd: {  	v63 =	vadd.f32 v60, v57;
	v48 =	vadd.f32 v61, v48;
	_ =	sdelay $0x1  }
0x2be: {  	v46 =	vadd.f32 v62, v46;
	v48 =	vadd.f32 v48, v63;
	_ =	sdelay $0x1  }
0x2bf: {  	v46 =	vadd.f32 v48, v46;
	_ =	sdelay $0x1  }
0x2c0: {  	(xrf2) =	vadd.scan.msk.f32 $0xffff, v46;
	_ =	sdelay $0x9  }
0x2c1: {  	v46, _, _ =	vpop (xrf2)  }
0x2c2: {  	v46 =	vadd.f32 $0.0e+00, v46;
	_ =	sdelay $0x1  }
0x2c3: {  	v46 =	vmul.f32 $1.442695020e+00, v46;
	_ =	sdelay $0x1  }
0x2c4: {  	v46 =	vbroadcast v46, $0xF;
	_ =	sdelay $0x1  }
0x2c5: {  	(erf) = vpow2.f32 v46;
	_ =	sdelay $0x8  }
0x2c6: {  	v46 =	vpop (erf)  }
0x2c7: {  	v13 =	vmul.f32 v46, v13;
	v34 =	vmul.f32 v46, v34  }
0x2c8: {  	v35 =	vmul.f32 v46, v35;
	v55 =	vmul.f32 v46, v37  }
0x2c9: {  	v56 =	vmul.f32 v46, v38;
	v57 =	vmul.f32 v46, v40  }
0x2ca: {  	v58 =	vmul.f32 v46, v41;
	v59 =	vmul.f32 v46, v43  }
0x2cb: {  	v60 =	vmul.f32 v46, v44;
	v0 =	vadd.f32 v13, v0;
	v13 =	vmul.f32 v46, v36  }
0x2cc: {  	v61 =	vmul.f32 v46, v47;
	v5 =	vadd.f32 v46, v5;
	v4 =	vadd.f32 v34, v4  }
0x2cd: {  	v6 =	vadd.f32 v35, v6;
	v1 =	vadd.f32 v13, v1;
	v13 =	vmul.f32 v46, v39  }
0x2ce: {  	p0 =	sne.s32 s23, $0x1;
	v62 =	vmul.f32 v46, v50;
	v7 =	vadd.f32 v55, v7;
	v33 =	vadd.f32 v56, v33  }
.Ltmp13:
0x2cf: {  	v9 =	vadd.f32 v57, v9;
	v8 =	vadd.f32 v13, v8;
	v13 =	vmul.f32 v46, v42;
	(pc) =	sbr.rel @p0 .LBB2_14-.Ltmp13, $4  }
0x2d0: {  	v63 =	vmul.f32 v46, v53;
	v12 =	vadd.f32 v58, v12;
	v14 =	vadd.f32 v59, v14  }
0x2d1: {  	v10 =	vadd.f32 v60, v10;
	v11 =	vadd.f32 v13, v11;
	v13 =	vmul.f32 v46, v45  }
0x2d2: {  	v3 =	vadd.f32 v61, v3;
	v15 =	vadd.f32 v62, v15  }
0x2d3: {  	s24 =	sadd.s32 $0x80, s24;
	s25 =	sadd.s32 $0x100, s25;
	s23 =	sadd.s32 $0xFFFFFFFF, s23;
	v16 =	vadd.f32 v63, v16;
	v2 =	vadd.f32 v13, v2  }
.Ltmp14:
0x2d4: {  	_ = 	snop;
	(pc) =	sbr.rel .LBB2_15-.Ltmp14, $1  }
0x2d5: {  	_ =	sdelay $0x3  }
.LBB2_18:
0x2d6: {  	_ =	sfence.sel $0x180000  }
0x2d7: {  	[bflag:$0x0] =	sbarrier.arrive $0xFFFF  }
0x2d8: {  	_ =	strace $0x90000047  }
0x2d9: {  	[bflag:$0x2] =	sbarrier.arrive $0xFFFF  }
0x2da: {  	p0 =	sne.s32 s3, $0x0;
	s0 =	rddreg [dreg:$0x4]  }
0x2db: {  	s0 =	sadd.s32 @!p0 $0x100000, s0  }
0x2dc: {  	[sflag:s0] =	ssyncadd.tile.s32 @!p0 $0x1;
	_ =	shalt  }
.Lfunc_end2:
_tile_overlayer_lowered:
.L_overlay_start_2:
0x2dd: {  	(tag) =	ssettag $0x2  }
0x2de: {  	s0 =	rddreg [dreg:$0x0];
	s2 =	stileid.u32  }
0x2df: {  	s1 =	rddreg [dreg:$0x1];
	p0 =	sne.s32 s2, $0x0  }
0x2e0: {  	s3 =	rddreg [dreg:$0x2];
	[bflag:$0x3] =	sbarrier.arrive $0xFFFF;
	s2 =	simm.s32 @!p0 $0x1C05  }
0x2e1: {  	[timem:s3], [sflag:s2] =	dma.local @!p0 [hbm:s0], s1  }
0x2e2: {  	s0 =	simm.s32 @!p0 $0x5  }
0x2e3: {  	_ =	swait.ge @!p0 [sflag:s0], s1  }
0x2e4: {  	s1 =	ssub.s32 @!p0 $0x0, s1;
	[sflag:s0] =	ssyncset.done @!p0 $0x0  }
0x2e5: {  	[sflag:s0] =	ssyncadd.s32 @!p0 s1  }
0x2e6: {  	[bflag:$0x3] =	sbarrier.arrive $0xFFFF  }
0x2e7: {  	_ =	shalt  }

</sc_bundles>
